<compile_context>
chip_gen: v7x
topology: tpu7x:2x2x1
jax: 0.10.2.dev20260603
libtpu: 0.0.44.dev20260713+nightly
codegen_flags: <defaults>
</compile_context>

<pallas_src>
import functools

import jax
import jax.numpy as jnp
from jax import lax
from jax.experimental import pallas as pl
from jax.experimental.pallas import tpu as pltpu
from jax.experimental.pallas import tpu_sc as plsc

B = 64
A = 64
BOARD = 64
N = B * A
DECAY = 0.8
WINDOW = 10.0
RADIUS = 3.0
FLOW = 0.5

NC, NS, L = 2, 16, 16
NW = NC * NS
PW = N // NW


G = 64
MB = 4


def _tc_extract_kernel(tbl_ref, pyt_ref, out_ref):
    lane = lax.broadcasted_iota(jnp.int32, (G, G * BOARD), 1)
    for m in range(MB):
        yi = pyt_ref[m].astype(jnp.int32)
        yi = jnp.minimum(jnp.maximum(yi, 0), BOARD - 1)
        tgt = lax.broadcasted_iota(jnp.int32, (G, 1), 0) * BOARD + yi
        oh = (lane == tgt).astype(jnp.float32)
        boards = tbl_ref[m].reshape(G * BOARD, BOARD)
        out_ref[pl.ds(m * G, G), :] = lax.dot_general(
            oh, boards, (((1,), (0,)), ((), ())),
            preferred_element_type=jnp.float32)


@functools.cache
def _get_sc_safety():
    mesh = plsc.VectorSubcoreMesh(core_axis_name="c", subcore_axis_name="s")
    cp = pltpu.CompilerParams(
        needs_layout_passes=False, use_tc_tiling_on_sc=False)

    @functools.partial(
        pl.kernel,
        compiler_params=cp,
        out_type=jax.ShapeDtypeStruct((N,), jnp.float32),
        mesh=mesh,
        scratch_types=[
            pltpu.VMEM((PW,), jnp.float32),
            pltpu.VMEM((PW,), jnp.float32),
            pltpu.VMEM((PW, BOARD), jnp.float32),
            pltpu.VMEM((PW,), jnp.float32),
            pltpu.SemaphoreType.DMA,
        ],
    )
    def _sc_safety(rows_hbm, px_hbm, coll_hbm, out_hbm,
                   px_v, coll_v, rows_v, saf_v, sem):
        wid = lax.axis_index("s") * NC + lax.axis_index("c")
        base = wid * PW
        pltpu.sync_copy(px_hbm.at[pl.ds(base, PW)], px_v)
        pltpu.sync_copy(coll_hbm.at[pl.ds(base, PW)], coll_v)
        pltpu.sync_copy(rows_hbm.at[pl.ds(base, PW)], rows_v)

        for i in range(PW // L):
            xi = px_v[pl.ds(i * L, L)].astype(jnp.int32)
            xi = jnp.minimum(jnp.maximum(xi, 0), BOARD - 1)
            ridx = i * L + lax.iota(jnp.int32, L)
            g = plsc.load_gather(rows_v, [ridx, xi])
            rate = g * (1.0 - 1.0 / WINDOW) + coll_v[pl.ds(i * L, L)] / WINDOW
            saf_v[pl.ds(i * L, L)] = 1.0 - jnp.minimum(
                jnp.maximum(rate, 0.0), 1.0)

        pltpu.sync_copy(saf_v, out_hbm.at[pl.ds(base, PW)])

    return _sc_safety


def _tc_bias_kernel(px_ref, py_ref, gx_ref, gy_ref, mx_ref, my_ref,
                    ppx_ref, ppy_ref, pxc_ref, pyc_ref, saf_ref, out_ref):
    px = px_ref[...]
    py = py_ref[...]
    gvx = gx_ref[...] - px
    gvy = gy_ref[...] - py
    gd = jnp.sqrt(gvx * gvx + gvy * gvy) + 1e-8
    nx = gvx / gd
    ny = gvy / gd

    dx = pxc_ref[...] - lax.broadcast_in_dim(px, (B, A, A), (0, 2))
    dy = pyc_ref[...] - lax.broadcast_in_dim(py, (B, A, A), (0, 2))
    dist = jnp.sqrt(dx * dx + dy * dy + 1e-12)
    mask = (dist <= RADIUS) & (dist > 0.1)
    w = jnp.where(mask, 1.0 / (dist + 1e-8), 0.0)
    wsum = jnp.sum(w, axis=-1) + 1e-8

    nmx = DECAY * mx_ref[...] + (1.0 - DECAY) * (px - ppx_ref[...])
    nmy = DECAY * my_ref[...] + (1.0 - DECAY) * (py - ppy_ref[...])
    cx = jnp.sum(w * lax.broadcast_in_dim(nmx, (B, A, A), (0, 2)),
                 axis=-1) / wsum
    cy = jnp.sum(w * lax.broadcast_in_dim(nmy, (B, A, A), (0, 2)),
                 axis=-1) / wsum

    saf = saf_ref[...]
    half_saf = 0.5 * saf
    out_ref[0] = half_saf
    out_ref[1] = (nx + 1.0) * half_saf + FLOW * cx
    out_ref[2] = (ny + 1.0) * half_saf + FLOW * cy
    out_ref[3] = (1.0 - nx) * half_saf - FLOW * cx
    out_ref[4] = (1.0 - ny) * half_saf - FLOW * cy


def kernel(positions, goals, prev_positions, agent_momentum,
           collision_history, collisions):
    px = positions[..., 0]
    py = positions[..., 1]
    gx = goals[..., 0]
    gy = goals[..., 1]
    ppx = prev_positions[..., 0]
    ppy = prev_positions[..., 1]
    mx = agent_momentum[..., 0]
    my = agent_momentum[..., 1]
    collf = collisions.astype(jnp.float32)

    rows = pl.pallas_call(
        _tc_extract_kernel,
        grid=(B // MB,),
        in_specs=[
            pl.BlockSpec((MB, A, BOARD, BOARD), lambda s: (s, 0, 0, 0)),
            pl.BlockSpec((MB, A, 1), lambda s: (s, 0, 0)),
        ],
        out_specs=pl.BlockSpec((MB * A, BOARD), lambda s: (s, 0)),
        out_shape=jax.ShapeDtypeStruct((N, BOARD), jnp.float32),
    )(collision_history, py[:, :, None])

    saf = _get_sc_safety()(
        rows, px.reshape(N), collf.reshape(N)).reshape(B, A)

    out = pl.pallas_call(
        _tc_bias_kernel,
        out_shape=jax.ShapeDtypeStruct((5, B, A), jnp.float32),
    )(px, py, gx, gy, mx, my, ppx, ppy,
      px[:, :, None], py[:, :, None], saf)

    return jnp.transpose(out, (1, 2, 0))

# --- scband reference (transcript-rebuilt; emitter-appended) ---
"""Pipeline reference for scband-stdpcoordination-system-73435350827443 (READ-ONLY COPY).

The authoritative reference and input builder live on the scoring server;
editing this copy changes nothing except your own understanding.
"""

import jax, jax.numpy as jnp
import numpy as np

B = 64
A = 64
BOARD = 64
NDIR = 5
DECAY = 0.8
WINDOW = 10.0
RADIUS = 3.0
FLOW = 0.5
ACTION_DELTAS = jnp.array([[0, 0], [1, 0], [0, 1], [-1, 0], [0, -1]], dtype=jnp.float32)


def setup_inputs(seed: int = 0) -> dict:
    key = jax.random.key(seed)
    ks = jax.random.split(key, 6)
    positions = jax.random.uniform(ks[0], (B, A, 2), dtype=jnp.float32) * (BOARD - 1)
    goals = jax.random.uniform(ks[1], (B, A, 2), dtype=jnp.float32) * (BOARD - 1)
    prev_positions = jax.random.uniform(ks[2], (B, A, 2), dtype=jnp.float32) * (BOARD - 1)
    agent_momentum = jax.random.normal(ks[3], (B, A, 2), dtype=jnp.float32)
    collision_history = jax.random.uniform(ks[4], (B, A, BOARD, BOARD), dtype=jnp.float32) * 0.3
    collisions = jax.random.randint(ks[5], (B, A), 0, 2).astype(bool)
    return {
        'positions': positions,
        'goals': goals,
        'prev_positions': prev_positions,
        'agent_momentum': agent_momentum,
        'collision_history': collision_history,
        'collisions': collisions,
    }


def reference(positions, goals, prev_positions, agent_momentum, collision_history, collisions):
    # --- update_momentum ---
    new_momentum = DECAY * agent_momentum + (1.0 - DECAY) * (positions - prev_positions)

    # --- update_collision_history: decay + scatter-add at agent cells ---
    decayed = collision_history * (1.0 - 1.0 / WINDOW)
    x = jnp.clip(jnp.floor(positions[..., 0]), 0, BOARD - 1).astype(jnp.int32)
    y = jnp.clip(jnp.floor(positions[..., 1]), 0, BOARD - 1).astype(jnp.int32)
    b_idx = jnp.broadcast_to(jnp.arange(B)[:, None], (B, A))
    a_idx = jnp.broadcast_to(jnp.arange(A)[None, :], (B, A))
    new_ch = decayed.at[b_idx, a_idx, y, x].add(collisions.astype(jnp.float32) / WINDOW)

    # --- compute_region_safety: gather collision rate at agent cells ---
    rate = new_ch[b_idx, a_idx, y, x]
    safety = 1.0 - jnp.clip(rate, 0.0, 1.0)

    # --- compute_goal_alignment for all 5 directions ---
    goal_vector = goals - positions
    goal_distance = jnp.linalg.norm(goal_vector, axis=-1, keepdims=True) + 1e-08
    goal_norm = goal_vector / goal_distance
    alignments = (jnp.einsum('bad,kd->bak', goal_norm, ACTION_DELTAS) + 1.0) / 2.0

    # --- compute_nearby_momentum_alignment (consensus momentum) ---
    diff = positions[:, :, None, :] - positions[:, None, :, :]
    dist = jnp.sqrt(jnp.sum(diff * diff, axis=-1) + 1e-12)
    mask = (dist <= RADIUS) & (dist > 0.1)
    w = jnp.where(mask, 1.0 / (dist + 1e-08), 0.0)
    wsum = jnp.sum(w, axis=-1, keepdims=True) + 1e-08
    w = w / wsum
    consensus = jnp.einsum('bij,bjd->bid', w, new_momentum)
    mom_align = jnp.einsum('bad,kd->bak', consensus, ACTION_DELTAS)

    # --- coordination bias per direction ---
    bias = alignments * safety[..., None] + FLOW * mom_align
    return bias

if __name__ == "__main__":
    import jax
    _d = setup_inputs()
    print(jax.jit(kernel)(*tuple(_d.values())))

</pallas_src>

<mosaic_0001>
#map = affine_map<(d0, d1) -> (0, 0)>
#map1 = affine_map<(d0, d1) -> (0)>
module attributes {stable_mosaic.version = 14 : i64} {
  func.func @_sc_safety(%arg0: i32, %arg1: i32, %arg2: memref<4096x64xf32, #tpu.memory_space<hbm>>, %arg3: memref<4096xf32, #tpu.memory_space<hbm>>, %arg4: memref<4096xf32, #tpu.memory_space<hbm>>, %arg5: memref<4096xf32, #tpu.memory_space<hbm>>, %arg6: memref<128xf32, #tpu.memory_space<vmem>>, %arg7: memref<128xf32, #tpu.memory_space<vmem>>, %arg8: memref<128x64xf32, #tpu.memory_space<vmem>>, %arg9: memref<128xf32, #tpu.memory_space<vmem>>, %arg10: memref<!tpu.dma_semaphore, #tpu.memory_space<semaphore_mem>>) attributes {dimension_semantics = [#tpu.dimension_semantics<core_parallel>, #tpu.dimension_semantics<subcore_parallel>], iteration_bounds = array<i64: 2, 16>, scalar_prefetch = 0 : i64, scratch_operands = 5 : i64, tpu.core_type = #tpu.core_type<sc_vector_subcore>, window_params = [{transform_indices = #map}, {transform_indices = #map1}, {transform_indices = #map1}, {transform_indices = #map1}]} {
    %mul3A = arith.constant 2 : i32
    %mul3A_0 = arith.muli %arg1, %mul3A : i32
    %add3A = arith.addi %mul3A_0, %arg0 : i32
    %mul3A_1 = arith.constant 128 : i32
    %mul3A_2 = arith.muli %add3A, %mul3A_1 : i32
    "tpu.region"() ({
      %run_scoped3A = tpu.sem_alloc : memref<!tpu.dma_semaphore, #tpu.memory_space<semaphore_mem>>
      %dma_start3A = tpu.memref_slice %arg3[%mul3A_2] : memref<4096xf32, #tpu.memory_space<hbm>> -> memref<128xf32, #tpu.memory_space<hbm>>
      %dma_start3A_266 = tpu.memref_slice %arg3[%mul3A_2] : memref<4096xf32, #tpu.memory_space<hbm>> -> memref<128xf32, #tpu.memory_space<hbm>>
      tpu.enqueue_dma source(%dma_start3A_266 : memref<128xf32, #tpu.memory_space<hbm>>) target(%arg6 : memref<128xf32, #tpu.memory_space<vmem>>) target_semaphore(%run_scoped3A : memref<!tpu.dma_semaphore, #tpu.memory_space<semaphore_mem>>)
      %dma_wait3A = tpu.memref_slice %arg3[%mul3A_2] : memref<4096xf32, #tpu.memory_space<hbm>> -> memref<128xf32, #tpu.memory_space<hbm>>
      %dma_wait3A_267 = tpu.memref_slice %arg3[%mul3A_2] : memref<4096xf32, #tpu.memory_space<hbm>> -> memref<128xf32, #tpu.memory_space<hbm>>
      tpu.wait_dma2 semaphore(%run_scoped3A : memref<!tpu.dma_semaphore, #tpu.memory_space<semaphore_mem>>) src(%dma_wait3A_267 : memref<128xf32, #tpu.memory_space<hbm>>) dst(%arg6 : memref<128xf32, #tpu.memory_space<vmem>>)
      tpu.yield
    }) : () -> ()
    "tpu.region"() ({
      %run_scoped3A = tpu.sem_alloc : memref<!tpu.dma_semaphore, #tpu.memory_space<semaphore_mem>>
      %dma_start3A = tpu.memref_slice %arg4[%mul3A_2] : memref<4096xf32, #tpu.memory_space<hbm>> -> memref<128xf32, #tpu.memory_space<hbm>>
      %dma_start3A_266 = tpu.memref_slice %arg4[%mul3A_2] : memref<4096xf32, #tpu.memory_space<hbm>> -> memref<128xf32, #tpu.memory_space<hbm>>
      tpu.enqueue_dma source(%dma_start3A_266 : memref<128xf32, #tpu.memory_space<hbm>>) target(%arg7 : memref<128xf32, #tpu.memory_space<vmem>>) target_semaphore(%run_scoped3A : memref<!tpu.dma_semaphore, #tpu.memory_space<semaphore_mem>>)
      %dma_wait3A = tpu.memref_slice %arg4[%mul3A_2] : memref<4096xf32, #tpu.memory_space<hbm>> -> memref<128xf32, #tpu.memory_space<hbm>>
      %dma_wait3A_267 = tpu.memref_slice %arg4[%mul3A_2] : memref<4096xf32, #tpu.memory_space<hbm>> -> memref<128xf32, #tpu.memory_space<hbm>>
      tpu.wait_dma2 semaphore(%run_scoped3A : memref<!tpu.dma_semaphore, #tpu.memory_space<semaphore_mem>>) src(%dma_wait3A_267 : memref<128xf32, #tpu.memory_space<hbm>>) dst(%arg7 : memref<128xf32, #tpu.memory_space<vmem>>)
      tpu.yield
    }) : () -> ()
    "tpu.region"() ({
      %run_scoped3A = tpu.sem_alloc : memref<!tpu.dma_semaphore, #tpu.memory_space<semaphore_mem>>
      %dma_start3A = arith.constant 0 : i32
      %dma_start3A_266 = tpu.memref_slice %arg2[%mul3A_2, %dma_start3A] : memref<4096x64xf32, #tpu.memory_space<hbm>> -> memref<128x64xf32, #tpu.memory_space<hbm>>
      %dma_start3A_267 = arith.constant 0 : i32
      %dma_start3A_268 = tpu.memref_slice %arg2[%mul3A_2, %dma_start3A_267] : memref<4096x64xf32, #tpu.memory_space<hbm>> -> memref<128x64xf32, #tpu.memory_space<hbm>>
      tpu.enqueue_dma source(%dma_start3A_268 : memref<128x64xf32, #tpu.memory_space<hbm>>) target(%arg8 : memref<128x64xf32, #tpu.memory_space<vmem>>) target_semaphore(%run_scoped3A : memref<!tpu.dma_semaphore, #tpu.memory_space<semaphore_mem>>)
      %dma_wait3A = arith.constant 0 : i32
      %dma_wait3A_269 = tpu.memref_slice %arg2[%mul3A_2, %dma_wait3A] : memref<4096x64xf32, #tpu.memory_space<hbm>> -> memref<128x64xf32, #tpu.memory_space<hbm>>
      %dma_wait3A_270 = arith.constant 0 : i32
      %dma_wait3A_271 = tpu.memref_slice %arg2[%mul3A_2, %dma_wait3A_270] : memref<4096x64xf32, #tpu.memory_space<hbm>> -> memref<128x64xf32, #tpu.memory_space<hbm>>
      tpu.wait_dma2 semaphore(%run_scoped3A : memref<!tpu.dma_semaphore, #tpu.memory_space<semaphore_mem>>) src(%dma_wait3A_271 : memref<128x64xf32, #tpu.memory_space<hbm>>) dst(%arg8 : memref<128x64xf32, #tpu.memory_space<vmem>>)
      tpu.yield
    }) : () -> ()
    %get3A = arith.constant 0 : index
    %get3A_3 = tpu.vector_load %arg6[%get3A] {strides = array<i32>} : memref<128xf32, #tpu.memory_space<vmem>>, vector<16xf32>,
    %convert_element_type3A = arith.fptosi %get3A_3 : vector<16xf32> to vector<16xi32>
    %max3A = arith.constant 0 : i32
    %max3A_4 = vector.broadcast %max3A : i32 to vector<16xi32>
    %max3A_5 = arith.maxsi %convert_element_type3A, %max3A_4 : vector<16xi32>
    %min3A = arith.constant 63 : i32
    %min3A_6 = vector.broadcast %min3A : i32 to vector<16xi32>
    %min3A_7 = arith.minsi %max3A_5, %min3A_6 : vector<16xi32>
    %iota3A = tpu.iota {dimensions = array<i32: 0>} : vector<16xi32>
    %add3A_8 = arith.constant 0 : i32
    %add3A_9 = vector.broadcast %add3A_8 : i32 to vector<16xi32>
    %add3A_10 = arith.addi %add3A_9, %iota3A : vector<16xi32>
    %gather3A = tpu.vector_load_idx %arg8[%add3A_10, %min3A_7] : memref<128x64xf32, #tpu.memory_space<vmem>>[vector<16xi32>, vector<16xi32>], vector<16xf32>,
    %mul3A_11 = arith.constant 0.899999976 : f32
    %mul3A_12 = vector.broadcast %mul3A_11 : f32 to vector<16xf32>
    %mul3A_13 = arith.mulf %gather3A, %mul3A_12 : vector<16xf32>
    %get3A_14 = arith.constant 0 : index
    %get3A_15 = tpu.vector_load %arg7[%get3A_14] {strides = array<i32>} : memref<128xf32, #tpu.memory_space<vmem>>, vector<16xf32>,
    %div3A = arith.constant 1.000000e+01 : f32
    %div3A_16 = vector.broadcast %div3A : f32 to vector<16xf32>
    %div3A_17 = arith.divf %get3A_15, %div3A_16 : vector<16xf32>
    %add3A_18 = arith.addf %mul3A_13, %div3A_17 : vector<16xf32>
    %max3A_19 = arith.constant 0.000000e+00 : f32
    %max3A_20 = vector.broadcast %max3A_19 : f32 to vector<16xf32>
    %max3A_21 = arith.maximumf %add3A_18, %max3A_20 : vector<16xf32>
    %min3A_22 = arith.constant 1.000000e+00 : f32
    %min3A_23 = vector.broadcast %min3A_22 : f32 to vector<16xf32>
    %min3A_24 = arith.minimumf %max3A_21, %min3A_23 : vector<16xf32>
    %sub3A = arith.constant 1.000000e+00 : f32
    %sub3A_25 = vector.broadcast %sub3A : f32 to vector<16xf32>
    %sub3A_26 = arith.subf %sub3A_25, %min3A_24 : vector<16xf32>
    %swap3A = arith.constant 0 : index
    %swap3A_27 = tpu.vector_load %arg9[%swap3A] {strides = array<i32>} : memref<128xf32, #tpu.memory_space<vmem>>, vector<16xf32>,
    tpu.vector_store %arg9[%swap3A], %sub3A_26 {strides = array<i32>} : memref<128xf32, #tpu.memory_space<vmem>>, vector<16xf32>,
    %get3A_28 = arith.constant 16 : index
    %get3A_29 = tpu.vector_load %arg6[%get3A_28] {strides = array<i32>} : memref<128xf32, #tpu.memory_space<vmem>>, vector<16xf32>,
    %convert_element_type3A_30 = arith.fptosi %get3A_29 : vector<16xf32> to vector<16xi32>
    %max3A_31 = arith.constant 0 : i32
    %max3A_32 = vector.broadcast %max3A_31 : i32 to vector<16xi32>
    %max3A_33 = arith.maxsi %convert_element_type3A_30, %max3A_32 : vector<16xi32>
    %min3A_34 = arith.constant 63 : i32
    %min3A_35 = vector.broadcast %min3A_34 : i32 to vector<16xi32>
    %min3A_36 = arith.minsi %max3A_33, %min3A_35 : vector<16xi32>
    %iota3A_37 = tpu.iota {dimensions = array<i32: 0>} : vector<16xi32>
    %add3A_38 = arith.constant 16 : i32
    %add3A_39 = vector.broadcast %add3A_38 : i32 to vector<16xi32>
    %add3A_40 = arith.addi %add3A_39, %iota3A_37 : vector<16xi32>
    %gather3A_41 = tpu.vector_load_idx %arg8[%add3A_40, %min3A_36] : memref<128x64xf32, #tpu.memory_space<vmem>>[vector<16xi32>, vector<16xi32>], vector<16xf32>,
    %mul3A_42 = arith.constant 0.899999976 : f32
    %mul3A_43 = vector.broadcast %mul3A_42 : f32 to vector<16xf32>
    %mul3A_44 = arith.mulf %gather3A_41, %mul3A_43 : vector<16xf32>
    %get3A_45 = arith.constant 16 : index
    %get3A_46 = tpu.vector_load %arg7[%get3A_45] {strides = array<i32>} : memref<128xf32, #tpu.memory_space<vmem>>, vector<16xf32>,
    %div3A_47 = arith.constant 1.000000e+01 : f32
    %div3A_48 = vector.broadcast %div3A_47 : f32 to vector<16xf32>
    %div3A_49 = arith.divf %get3A_46, %div3A_48 : vector<16xf32>
    %add3A_50 = arith.addf %mul3A_44, %div3A_49 : vector<16xf32>
    %max3A_51 = arith.constant 0.000000e+00 : f32
    %max3A_52 = vector.broadcast %max3A_51 : f32 to vector<16xf32>
    %max3A_53 = arith.maximumf %add3A_50, %max3A_52 : vector<16xf32>
    %min3A_54 = arith.constant 1.000000e+00 : f32
    %min3A_55 = vector.broadcast %min3A_54 : f32 to vector<16xf32>
    %min3A_56 = arith.minimumf %max3A_53, %min3A_55 : vector<16xf32>
    %sub3A_57 = arith.constant 1.000000e+00 : f32
    %sub3A_58 = vector.broadcast %sub3A_57 : f32 to vector<16xf32>
    %sub3A_59 = arith.subf %sub3A_58, %min3A_56 : vector<16xf32>
    %swap3A_60 = arith.constant 16 : index
    %swap3A_61 = tpu.vector_load %arg9[%swap3A_60] {strides = array<i32>} : memref<128xf32, #tpu.memory_space<vmem>>, vector<16xf32>,
    tpu.vector_store %arg9[%swap3A_60], %sub3A_59 {strides = array<i32>} : memref<128xf32, #tpu.memory_space<vmem>>, vector<16xf32>,
    %get3A_62 = arith.constant 32 : index
    %get3A_63 = tpu.vector_load %arg6[%get3A_62] {strides = array<i32>} : memref<128xf32, #tpu.memory_space<vmem>>, vector<16xf32>,
    %convert_element_type3A_64 = arith.fptosi %get3A_63 : vector<16xf32> to vector<16xi32>
    %max3A_65 = arith.constant 0 : i32
    %max3A_66 = vector.broadcast %max3A_65 : i32 to vector<16xi32>
    %max3A_67 = arith.maxsi %convert_element_type3A_64, %max3A_66 : vector<16xi32>
    %min3A_68 = arith.constant 63 : i32
    %min3A_69 = vector.broadcast %min3A_68 : i32 to vector<16xi32>
    %min3A_70 = arith.minsi %max3A_67, %min3A_69 : vector<16xi32>
    %iota3A_71 = tpu.iota {dimensions = array<i32: 0>} : vector<16xi32>
    %add3A_72 = arith.constant 32 : i32
    %add3A_73 = vector.broadcast %add3A_72 : i32 to vector<16xi32>
    %add3A_74 = arith.addi %add3A_73, %iota3A_71 : vector<16xi32>
    %gather3A_75 = tpu.vector_load_idx %arg8[%add3A_74, %min3A_70] : memref<128x64xf32, #tpu.memory_space<vmem>>[vector<16xi32>, vector<16xi32>], vector<16xf32>,
    %mul3A_76 = arith.constant 0.899999976 : f32
    %mul3A_77 = vector.broadcast %mul3A_76 : f32 to vector<16xf32>
    %mul3A_78 = arith.mulf %gather3A_75, %mul3A_77 : vector<16xf32>
    %get3A_79 = arith.constant 32 : index
    %get3A_80 = tpu.vector_load %arg7[%get3A_79] {strides = array<i32>} : memref<128xf32, #tpu.memory_space<vmem>>, vector<16xf32>,
    %div3A_81 = arith.constant 1.000000e+01 : f32
    %div3A_82 = vector.broadcast %div3A_81 : f32 to vector<16xf32>
    %div3A_83 = arith.divf %get3A_80, %div3A_82 : vector<16xf32>
    %add3A_84 = arith.addf %mul3A_78, %div3A_83 : vector<16xf32>
    %max3A_85 = arith.constant 0.000000e+00 : f32
    %max3A_86 = vector.broadcast %max3A_85 : f32 to vector<16xf32>
    %max3A_87 = arith.maximumf %add3A_84, %max3A_86 : vector<16xf32>
    %min3A_88 = arith.constant 1.000000e+00 : f32
    %min3A_89 = vector.broadcast %min3A_88 : f32 to vector<16xf32>
    %min3A_90 = arith.minimumf %max3A_87, %min3A_89 : vector<16xf32>
    %sub3A_91 = arith.constant 1.000000e+00 : f32
    %sub3A_92 = vector.broadcast %sub3A_91 : f32 to vector<16xf32>
    %sub3A_93 = arith.subf %sub3A_92, %min3A_90 : vector<16xf32>
    %swap3A_94 = arith.constant 32 : index
    %swap3A_95 = tpu.vector_load %arg9[%swap3A_94] {strides = array<i32>} : memref<128xf32, #tpu.memory_space<vmem>>, vector<16xf32>,
    tpu.vector_store %arg9[%swap3A_94], %sub3A_93 {strides = array<i32>} : memref<128xf32, #tpu.memory_space<vmem>>, vector<16xf32>,
    %get3A_96 = arith.constant 48 : index
    %get3A_97 = tpu.vector_load %arg6[%get3A_96] {strides = array<i32>} : memref<128xf32, #tpu.memory_space<vmem>>, vector<16xf32>,
    %convert_element_type3A_98 = arith.fptosi %get3A_97 : vector<16xf32> to vector<16xi32>
    %max3A_99 = arith.constant 0 : i32
    %max3A_100 = vector.broadcast %max3A_99 : i32 to vector<16xi32>
    %max3A_101 = arith.maxsi %convert_element_type3A_98, %max3A_100 : vector<16xi32>
    %min3A_102 = arith.constant 63 : i32
    %min3A_103 = vector.broadcast %min3A_102 : i32 to vector<16xi32>
    %min3A_104 = arith.minsi %max3A_101, %min3A_103 : vector<16xi32>
    %iota3A_105 = tpu.iota {dimensions = array<i32: 0>} : vector<16xi32>
    %add3A_106 = arith.constant 48 : i32
    %add3A_107 = vector.broadcast %add3A_106 : i32 to vector<16xi32>
    %add3A_108 = arith.addi %add3A_107, %iota3A_105 : vector<16xi32>
    %gather3A_109 = tpu.vector_load_idx %arg8[%add3A_108, %min3A_104] : memref<128x64xf32, #tpu.memory_space<vmem>>[vector<16xi32>, vector<16xi32>], vector<16xf32>,
    %mul3A_110 = arith.constant 0.899999976 : f32
    %mul3A_111 = vector.broadcast %mul3A_110 : f32 to vector<16xf32>
    %mul3A_112 = arith.mulf %gather3A_109, %mul3A_111 : vector<16xf32>
    %get3A_113 = arith.constant 48 : index
    %get3A_114 = tpu.vector_load %arg7[%get3A_113] {strides = array<i32>} : memref<128xf32, #tpu.memory_space<vmem>>, vector<16xf32>,
    %div3A_115 = arith.constant 1.000000e+01 : f32
    %div3A_116 = vector.broadcast %div3A_115 : f32 to vector<16xf32>
    %div3A_117 = arith.divf %get3A_114, %div3A_116 : vector<16xf32>
    %add3A_118 = arith.addf %mul3A_112, %div3A_117 : vector<16xf32>
    %max3A_119 = arith.constant 0.000000e+00 : f32
    %max3A_120 = vector.broadcast %max3A_119 : f32 to vector<16xf32>
    %max3A_121 = arith.maximumf %add3A_118, %max3A_120 : vector<16xf32>
    %min3A_122 = arith.constant 1.000000e+00 : f32
    %min3A_123 = vector.broadcast %min3A_122 : f32 to vector<16xf32>
    %min3A_124 = arith.minimumf %max3A_121, %min3A_123 : vector<16xf32>
    %sub3A_125 = arith.constant 1.000000e+00 : f32
    %sub3A_126 = vector.broadcast %sub3A_125 : f32 to vector<16xf32>
    %sub3A_127 = arith.subf %sub3A_126, %min3A_124 : vector<16xf32>
    %swap3A_128 = arith.constant 48 : index
    %swap3A_129 = tpu.vector_load %arg9[%swap3A_128] {strides = array<i32>} : memref<128xf32, #tpu.memory_space<vmem>>, vector<16xf32>,
    tpu.vector_store %arg9[%swap3A_128], %sub3A_127 {strides = array<i32>} : memref<128xf32, #tpu.memory_space<vmem>>, vector<16xf32>,
    %get3A_130 = arith.constant 64 : index
    %get3A_131 = tpu.vector_load %arg6[%get3A_130] {strides = array<i32>} : memref<128xf32, #tpu.memory_space<vmem>>, vector<16xf32>,
    %convert_element_type3A_132 = arith.fptosi %get3A_131 : vector<16xf32> to vector<16xi32>
    %max3A_133 = arith.constant 0 : i32
    %max3A_134 = vector.broadcast %max3A_133 : i32 to vector<16xi32>
    %max3A_135 = arith.maxsi %convert_element_type3A_132, %max3A_134 : vector<16xi32>
    %min3A_136 = arith.constant 63 : i32
    %min3A_137 = vector.broadcast %min3A_136 : i32 to vector<16xi32>
    %min3A_138 = arith.minsi %max3A_135, %min3A_137 : vector<16xi32>
    %iota3A_139 = tpu.iota {dimensions = array<i32: 0>} : vector<16xi32>
    %add3A_140 = arith.constant 64 : i32
    %add3A_141 = vector.broadcast %add3A_140 : i32 to vector<16xi32>
    %add3A_142 = arith.addi %add3A_141, %iota3A_139 : vector<16xi32>
    %gather3A_143 = tpu.vector_load_idx %arg8[%add3A_142, %min3A_138] : memref<128x64xf32, #tpu.memory_space<vmem>>[vector<16xi32>, vector<16xi32>], vector<16xf32>,
    %mul3A_144 = arith.constant 0.899999976 : f32
    %mul3A_145 = vector.broadcast %mul3A_144 : f32 to vector<16xf32>
    %mul3A_146 = arith.mulf %gather3A_143, %mul3A_145 : vector<16xf32>
    %get3A_147 = arith.constant 64 : index
    %get3A_148 = tpu.vector_load %arg7[%get3A_147] {strides = array<i32>} : memref<128xf32, #tpu.memory_space<vmem>>, vector<16xf32>,
    %div3A_149 = arith.constant 1.000000e+01 : f32
    %div3A_150 = vector.broadcast %div3A_149 : f32 to vector<16xf32>
    %div3A_151 = arith.divf %get3A_148, %div3A_150 : vector<16xf32>
    %add3A_152 = arith.addf %mul3A_146, %div3A_151 : vector<16xf32>
    %max3A_153 = arith.constant 0.000000e+00 : f32
    %max3A_154 = vector.broadcast %max3A_153 : f32 to vector<16xf32>
    %max3A_155 = arith.maximumf %add3A_152, %max3A_154 : vector<16xf32>
    %min3A_156 = arith.constant 1.000000e+00 : f32
    %min3A_157 = vector.broadcast %min3A_156 : f32 to vector<16xf32>
    %min3A_158 = arith.minimumf %max3A_155, %min3A_157 : vector<16xf32>
    %sub3A_159 = arith.constant 1.000000e+00 : f32
    %sub3A_160 = vector.broadcast %sub3A_159 : f32 to vector<16xf32>
    %sub3A_161 = arith.subf %sub3A_160, %min3A_158 : vector<16xf32>
    %swap3A_162 = arith.constant 64 : index
    %swap3A_163 = tpu.vector_load %arg9[%swap3A_162] {strides = array<i32>} : memref<128xf32, #tpu.memory_space<vmem>>, vector<16xf32>,
    tpu.vector_store %arg9[%swap3A_162], %sub3A_161 {strides = array<i32>} : memref<128xf32, #tpu.memory_space<vmem>>, vector<16xf32>,
    %get3A_164 = arith.constant 80 : index
    %get3A_165 = tpu.vector_load %arg6[%get3A_164] {strides = array<i32>} : memref<128xf32, #tpu.memory_space<vmem>>, vector<16xf32>,
    %convert_element_type3A_166 = arith.fptosi %get3A_165 : vector<16xf32> to vector<16xi32>
    %max3A_167 = arith.constant 0 : i32
    %max3A_168 = vector.broadcast %max3A_167 : i32 to vector<16xi32>
    %max3A_169 = arith.maxsi %convert_element_type3A_166, %max3A_168 : vector<16xi32>
    %min3A_170 = arith.constant 63 : i32
    %min3A_171 = vector.broadcast %min3A_170 : i32 to vector<16xi32>
    %min3A_172 = arith.minsi %max3A_169, %min3A_171 : vector<16xi32>
    %iota3A_173 = tpu.iota {dimensions = array<i32: 0>} : vector<16xi32>
    %add3A_174 = arith.constant 80 : i32
    %add3A_175 = vector.broadcast %add3A_174 : i32 to vector<16xi32>
    %add3A_176 = arith.addi %add3A_175, %iota3A_173 : vector<16xi32>
    %gather3A_177 = tpu.vector_load_idx %arg8[%add3A_176, %min3A_172] : memref<128x64xf32, #tpu.memory_space<vmem>>[vector<16xi32>, vector<16xi32>], vector<16xf32>,
    %mul3A_178 = arith.constant 0.899999976 : f32
    %mul3A_179 = vector.broadcast %mul3A_178 : f32 to vector<16xf32>
    %mul3A_180 = arith.mulf %gather3A_177, %mul3A_179 : vector<16xf32>
    %get3A_181 = arith.constant 80 : index
    %get3A_182 = tpu.vector_load %arg7[%get3A_181] {strides = array<i32>} : memref<128xf32, #tpu.memory_space<vmem>>, vector<16xf32>,
    %div3A_183 = arith.constant 1.000000e+01 : f32
    %div3A_184 = vector.broadcast %div3A_183 : f32 to vector<16xf32>
    %div3A_185 = arith.divf %get3A_182, %div3A_184 : vector<16xf32>
    %add3A_186 = arith.addf %mul3A_180, %div3A_185 : vector<16xf32>
    %max3A_187 = arith.constant 0.000000e+00 : f32
    %max3A_188 = vector.broadcast %max3A_187 : f32 to vector<16xf32>
    %max3A_189 = arith.maximumf %add3A_186, %max3A_188 : vector<16xf32>
    %min3A_190 = arith.constant 1.000000e+00 : f32
    %min3A_191 = vector.broadcast %min3A_190 : f32 to vector<16xf32>
    %min3A_192 = arith.minimumf %max3A_189, %min3A_191 : vector<16xf32>
    %sub3A_193 = arith.constant 1.000000e+00 : f32
    %sub3A_194 = vector.broadcast %sub3A_193 : f32 to vector<16xf32>
    %sub3A_195 = arith.subf %sub3A_194, %min3A_192 : vector<16xf32>
    %swap3A_196 = arith.constant 80 : index
    %swap3A_197 = tpu.vector_load %arg9[%swap3A_196] {strides = array<i32>} : memref<128xf32, #tpu.memory_space<vmem>>, vector<16xf32>,
    tpu.vector_store %arg9[%swap3A_196], %sub3A_195 {strides = array<i32>} : memref<128xf32, #tpu.memory_space<vmem>>, vector<16xf32>,
    %get3A_198 = arith.constant 96 : index
    %get3A_199 = tpu.vector_load %arg6[%get3A_198] {strides = array<i32>} : memref<128xf32, #tpu.memory_space<vmem>>, vector<16xf32>,
    %convert_element_type3A_200 = arith.fptosi %get3A_199 : vector<16xf32> to vector<16xi32>
    %max3A_201 = arith.constant 0 : i32
    %max3A_202 = vector.broadcast %max3A_201 : i32 to vector<16xi32>
    %max3A_203 = arith.maxsi %convert_element_type3A_200, %max3A_202 : vector<16xi32>
    %min3A_204 = arith.constant 63 : i32
    %min3A_205 = vector.broadcast %min3A_204 : i32 to vector<16xi32>
    %min3A_206 = arith.minsi %max3A_203, %min3A_205 : vector<16xi32>
    %iota3A_207 = tpu.iota {dimensions = array<i32: 0>} : vector<16xi32>
    %add3A_208 = arith.constant 96 : i32
    %add3A_209 = vector.broadcast %add3A_208 : i32 to vector<16xi32>
    %add3A_210 = arith.addi %add3A_209, %iota3A_207 : vector<16xi32>
    %gather3A_211 = tpu.vector_load_idx %arg8[%add3A_210, %min3A_206] : memref<128x64xf32, #tpu.memory_space<vmem>>[vector<16xi32>, vector<16xi32>], vector<16xf32>,
    %mul3A_212 = arith.constant 0.899999976 : f32
    %mul3A_213 = vector.broadcast %mul3A_212 : f32 to vector<16xf32>
    %mul3A_214 = arith.mulf %gather3A_211, %mul3A_213 : vector<16xf32>
    %get3A_215 = arith.constant 96 : index
    %get3A_216 = tpu.vector_load %arg7[%get3A_215] {strides = array<i32>} : memref<128xf32, #tpu.memory_space<vmem>>, vector<16xf32>,
    %div3A_217 = arith.constant 1.000000e+01 : f32
    %div3A_218 = vector.broadcast %div3A_217 : f32 to vector<16xf32>
    %div3A_219 = arith.divf %get3A_216, %div3A_218 : vector<16xf32>
    %add3A_220 = arith.addf %mul3A_214, %div3A_219 : vector<16xf32>
    %max3A_221 = arith.constant 0.000000e+00 : f32
    %max3A_222 = vector.broadcast %max3A_221 : f32 to vector<16xf32>
    %max3A_223 = arith.maximumf %add3A_220, %max3A_222 : vector<16xf32>
    %min3A_224 = arith.constant 1.000000e+00 : f32
    %min3A_225 = vector.broadcast %min3A_224 : f32 to vector<16xf32>
    %min3A_226 = arith.minimumf %max3A_223, %min3A_225 : vector<16xf32>
    %sub3A_227 = arith.constant 1.000000e+00 : f32
    %sub3A_228 = vector.broadcast %sub3A_227 : f32 to vector<16xf32>
    %sub3A_229 = arith.subf %sub3A_228, %min3A_226 : vector<16xf32>
    %swap3A_230 = arith.constant 96 : index
    %swap3A_231 = tpu.vector_load %arg9[%swap3A_230] {strides = array<i32>} : memref<128xf32, #tpu.memory_space<vmem>>, vector<16xf32>,
    tpu.vector_store %arg9[%swap3A_230], %sub3A_229 {strides = array<i32>} : memref<128xf32, #tpu.memory_space<vmem>>, vector<16xf32>,
    %get3A_232 = arith.constant 112 : index
    %get3A_233 = tpu.vector_load %arg6[%get3A_232] {strides = array<i32>} : memref<128xf32, #tpu.memory_space<vmem>>, vector<16xf32>,
    %convert_element_type3A_234 = arith.fptosi %get3A_233 : vector<16xf32> to vector<16xi32>
    %max3A_235 = arith.constant 0 : i32
    %max3A_236 = vector.broadcast %max3A_235 : i32 to vector<16xi32>
    %max3A_237 = arith.maxsi %convert_element_type3A_234, %max3A_236 : vector<16xi32>
    %min3A_238 = arith.constant 63 : i32
    %min3A_239 = vector.broadcast %min3A_238 : i32 to vector<16xi32>
    %min3A_240 = arith.minsi %max3A_237, %min3A_239 : vector<16xi32>
    %iota3A_241 = tpu.iota {dimensions = array<i32: 0>} : vector<16xi32>
    %add3A_242 = arith.constant 112 : i32
    %add3A_243 = vector.broadcast %add3A_242 : i32 to vector<16xi32>
    %add3A_244 = arith.addi %add3A_243, %iota3A_241 : vector<16xi32>
    %gather3A_245 = tpu.vector_load_idx %arg8[%add3A_244, %min3A_240] : memref<128x64xf32, #tpu.memory_space<vmem>>[vector<16xi32>, vector<16xi32>], vector<16xf32>,
    %mul3A_246 = arith.constant 0.899999976 : f32
    %mul3A_247 = vector.broadcast %mul3A_246 : f32 to vector<16xf32>
    %mul3A_248 = arith.mulf %gather3A_245, %mul3A_247 : vector<16xf32>
    %get3A_249 = arith.constant 112 : index
    %get3A_250 = tpu.vector_load %arg7[%get3A_249] {strides = array<i32>} : memref<128xf32, #tpu.memory_space<vmem>>, vector<16xf32>,
    %div3A_251 = arith.constant 1.000000e+01 : f32
    %div3A_252 = vector.broadcast %div3A_251 : f32 to vector<16xf32>
    %div3A_253 = arith.divf %get3A_250, %div3A_252 : vector<16xf32>
    %add3A_254 = arith.addf %mul3A_248, %div3A_253 : vector<16xf32>
    %max3A_255 = arith.constant 0.000000e+00 : f32
    %max3A_256 = vector.broadcast %max3A_255 : f32 to vector<16xf32>
    %max3A_257 = arith.maximumf %add3A_254, %max3A_256 : vector<16xf32>
    %min3A_258 = arith.constant 1.000000e+00 : f32
    %min3A_259 = vector.broadcast %min3A_258 : f32 to vector<16xf32>
    %min3A_260 = arith.minimumf %max3A_257, %min3A_259 : vector<16xf32>
    %sub3A_261 = arith.constant 1.000000e+00 : f32
    %sub3A_262 = vector.broadcast %sub3A_261 : f32 to vector<16xf32>
    %sub3A_263 = arith.subf %sub3A_262, %min3A_260 : vector<16xf32>
    %swap3A_264 = arith.constant 112 : index
    %swap3A_265 = tpu.vector_load %arg9[%swap3A_264] {strides = array<i32>} : memref<128xf32, #tpu.memory_space<vmem>>, vector<16xf32>,
    tpu.vector_store %arg9[%swap3A_264], %sub3A_263 {strides = array<i32>} : memref<128xf32, #tpu.memory_space<vmem>>, vector<16xf32>,
    "tpu.region"() ({
      %run_scoped3A = tpu.sem_alloc : memref<!tpu.dma_semaphore, #tpu.memory_space<semaphore_mem>>
      %dma_start3A = tpu.memref_slice %arg5[%mul3A_2] : memref<4096xf32, #tpu.memory_space<hbm>> -> memref<128xf32, #tpu.memory_space<hbm>>
      %dma_start3A_266 = tpu.memref_slice %arg5[%mul3A_2] : memref<4096xf32, #tpu.memory_space<hbm>> -> memref<128xf32, #tpu.memory_space<hbm>>
      tpu.enqueue_dma source(%arg9 : memref<128xf32, #tpu.memory_space<vmem>>) target(%dma_start3A_266 : memref<128xf32, #tpu.memory_space<hbm>>) target_semaphore(%run_scoped3A : memref<!tpu.dma_semaphore, #tpu.memory_space<semaphore_mem>>)
      %dma_wait3A = tpu.memref_slice %arg5[%mul3A_2] : memref<4096xf32, #tpu.memory_space<hbm>> -> memref<128xf32, #tpu.memory_space<hbm>>
      %dma_wait3A_267 = tpu.memref_slice %arg5[%mul3A_2] : memref<4096xf32, #tpu.memory_space<hbm>> -> memref<128xf32, #tpu.memory_space<hbm>>
      tpu.wait_dma2 semaphore(%run_scoped3A : memref<!tpu.dma_semaphore, #tpu.memory_space<semaphore_mem>>) src(%arg9 : memref<128xf32, #tpu.memory_space<vmem>>) dst(%dma_wait3A_267 : memref<128xf32, #tpu.memory_space<hbm>>)
      tpu.yield
    }) : () -> ()
    return
  }
}

module attributes {stable_mosaic.version = 14 : i64} {
  func.func @_tc_extract_kernel(%arg0: i32, %arg1: memref<4x64x64x64xf32, #tpu.memory_space<vmem>>, %arg2: memref<4x64x1xf32, #tpu.memory_space<vmem>>, %arg3: memref<256x64xf32, #tpu.memory_space<vmem>>) attributes {dimension_semantics = [#tpu.dimension_semantics<arbitrary>], iteration_bounds = array<i64: 16>, scalar_prefetch = 0 : i64, scratch_operands = 0 : i64, tpu.core_type = #tpu.core_type<tc>, window_params = [{transform_indices = @transform_0, window_bounds = array<i64: 4, 64, 64, 64>}, {transform_indices = @transform_1, window_bounds = array<i64: 4, 64, 1>}, {transform_indices = @transform_2, window_bounds = array<i64: 256, 64>}]} {
    %iota3A = tpu.iota {dimensions = array<i32: 1>} : vector<64x4096xi32>
    %get3A = arith.constant 0 : index
    %get3A_0 = arith.constant 0 : index
    %get3A_1 = arith.constant 0 : index
    %get3A_2 = vector.load %arg2[%get3A, %get3A_0, %get3A_1] : memref<4x64x1xf32, #tpu.memory_space<vmem>>, vector<1x64x1xf32>
    %get3A_3 = vector.shape_cast %get3A_2 : vector<1x64x1xf32> to vector<64x1xf32>
    %convert_element_type3A = arith.fptosi %get3A_3 : vector<64x1xf32> to vector<64x1xi32>
    %max3A = arith.constant 0 : i32
    %max3A_4 = vector.broadcast %max3A : i32 to vector<64x1xi32>
    %max3A_5 = arith.maxsi %convert_element_type3A, %max3A_4 : vector<64x1xi32>
    %min3A = arith.constant 63 : i32
    %min3A_6 = vector.broadcast %min3A : i32 to vector<64x1xi32>
    %min3A_7 = arith.minsi %max3A_5, %min3A_6 : vector<64x1xi32>
    %iota3A_8 = tpu.iota {dimensions = array<i32: 0>} : vector<64x1xi32>
    %mul3A = arith.constant 64 : i32
    %mul3A_9 = vector.broadcast %mul3A : i32 to vector<64x1xi32>
    %mul3A_10 = arith.muli %iota3A_8, %mul3A_9 : vector<64x1xi32>
    %add3A = arith.addi %mul3A_10, %min3A_7 : vector<64x1xi32>
    %eq3A = vector.broadcast %add3A : vector<64x1xi32> to vector<64x4096xi32>
    %eq3A_11 = arith.cmpi eq, %iota3A, %eq3A : vector<64x4096xi32>
    %convert_element_type3A_12 = arith.extui %eq3A_11 : vector<64x4096xi1> to vector<64x4096xi32>
    %convert_element_type3A_13 = arith.sitofp %convert_element_type3A_12 : vector<64x4096xi32> to vector<64x4096xf32>
    %get3A_14 = arith.constant 0 : index
    %get3A_15 = arith.constant 0 : index
    %get3A_16 = arith.constant 0 : index
    %get3A_17 = arith.constant 0 : index
    %get3A_18 = vector.load %arg1[%get3A_14, %get3A_15, %get3A_16, %get3A_17] : memref<4x64x64x64xf32, #tpu.memory_space<vmem>>, vector<1x64x64x64xf32>
    %get3A_19 = vector.shape_cast %get3A_18 : vector<1x64x64x64xf32> to vector<64x64x64xf32>
    %reshape3A = vector.shape_cast %get3A_19 : vector<64x64x64xf32> to vector<4096x64xf32>
    %dot_general3A = arith.constant dense<0.000000e+00> : vector<64x64xf32>
    %dot_general3A_20 = tpu.matmul %convert_element_type3A_13, %reshape3A, %dot_general3A {dimension_numbers = #tpu.dot_dimension_numbers<[1], [0], [0], [1], [0, 0, 1, 1], [], []>, transpose_lhs_hint = false} : vector<64x4096xf32>, vector<4096x64xf32>, vector<64x64xf32> -> vector<64x64xf32>
    %swap3A = arith.constant 0 : index
    %swap3A_21 = arith.constant 0 : index
    %swap3A_22 = vector.load %arg3[%swap3A, %swap3A_21] : memref<256x64xf32, #tpu.memory_space<vmem>>, vector<64x64xf32>
    tpu.vector_store %arg3[%swap3A, %swap3A_21], %dot_general3A_20 {strides = array<i32>} : memref<256x64xf32, #tpu.memory_space<vmem>>, vector<64x64xf32>,
    %get3A_23 = arith.constant 1 : index
    %get3A_24 = arith.constant 0 : index
    %get3A_25 = arith.constant 0 : index
    %get3A_26 = vector.load %arg2[%get3A_23, %get3A_24, %get3A_25] : memref<4x64x1xf32, #tpu.memory_space<vmem>>, vector<1x64x1xf32>
    %get3A_27 = vector.shape_cast %get3A_26 : vector<1x64x1xf32> to vector<64x1xf32>
    %convert_element_type3A_28 = arith.fptosi %get3A_27 : vector<64x1xf32> to vector<64x1xi32>
    %max3A_29 = arith.constant 0 : i32
    %max3A_30 = vector.broadcast %max3A_29 : i32 to vector<64x1xi32>
    %max3A_31 = arith.maxsi %convert_element_type3A_28, %max3A_30 : vector<64x1xi32>
    %min3A_32 = arith.constant 63 : i32
    %min3A_33 = vector.broadcast %min3A_32 : i32 to vector<64x1xi32>
    %min3A_34 = arith.minsi %max3A_31, %min3A_33 : vector<64x1xi32>
    %iota3A_35 = tpu.iota {dimensions = array<i32: 0>} : vector<64x1xi32>
    %mul3A_36 = arith.constant 64 : i32
    %mul3A_37 = vector.broadcast %mul3A_36 : i32 to vector<64x1xi32>
    %mul3A_38 = arith.muli %iota3A_35, %mul3A_37 : vector<64x1xi32>
    %add3A_39 = arith.addi %mul3A_38, %min3A_34 : vector<64x1xi32>
    %eq3A_40 = vector.broadcast %add3A_39 : vector<64x1xi32> to vector<64x4096xi32>
    %eq3A_41 = arith.cmpi eq, %iota3A, %eq3A_40 : vector<64x4096xi32>
    %convert_element_type3A_42 = arith.extui %eq3A_41 : vector<64x4096xi1> to vector<64x4096xi32>
    %convert_element_type3A_43 = arith.sitofp %convert_element_type3A_42 : vector<64x4096xi32> to vector<64x4096xf32>
    %get3A_44 = arith.constant 1 : index
    %get3A_45 = arith.constant 0 : index
    %get3A_46 = arith.constant 0 : index
    %get3A_47 = arith.constant 0 : index
    %get3A_48 = vector.load %arg1[%get3A_44, %get3A_45, %get3A_46, %get3A_47] : memref<4x64x64x64xf32, #tpu.memory_space<vmem>>, vector<1x64x64x64xf32>
    %get3A_49 = vector.shape_cast %get3A_48 : vector<1x64x64x64xf32> to vector<64x64x64xf32>
    %reshape3A_50 = vector.shape_cast %get3A_49 : vector<64x64x64xf32> to vector<4096x64xf32>
    %dot_general3A_51 = arith.constant dense<0.000000e+00> : vector<64x64xf32>
    %dot_general3A_52 = tpu.matmul %convert_element_type3A_43, %reshape3A_50, %dot_general3A_51 {dimension_numbers = #tpu.dot_dimension_numbers<[1], [0], [0], [1], [0, 0, 1, 1], [], []>, transpose_lhs_hint = false} : vector<64x4096xf32>, vector<4096x64xf32>, vector<64x64xf32> -> vector<64x64xf32>
    %swap3A_53 = arith.constant 64 : index
    %swap3A_54 = arith.constant 0 : index
    %swap3A_55 = vector.load %arg3[%swap3A_53, %swap3A_54] : memref<256x64xf32, #tpu.memory_space<vmem>>, vector<64x64xf32>
    tpu.vector_store %arg3[%swap3A_53, %swap3A_54], %dot_general3A_52 {strides = array<i32>} : memref<256x64xf32, #tpu.memory_space<vmem>>, vector<64x64xf32>,
    %get3A_56 = arith.constant 2 : index
    %get3A_57 = arith.constant 0 : index
    %get3A_58 = arith.constant 0 : index
    %get3A_59 = vector.load %arg2[%get3A_56, %get3A_57, %get3A_58] : memref<4x64x1xf32, #tpu.memory_space<vmem>>, vector<1x64x1xf32>
    %get3A_60 = vector.shape_cast %get3A_59 : vector<1x64x1xf32> to vector<64x1xf32>
    %convert_element_type3A_61 = arith.fptosi %get3A_60 : vector<64x1xf32> to vector<64x1xi32>
    %max3A_62 = arith.constant 0 : i32
    %max3A_63 = vector.broadcast %max3A_62 : i32 to vector<64x1xi32>
    %max3A_64 = arith.maxsi %convert_element_type3A_61, %max3A_63 : vector<64x1xi32>
    %min3A_65 = arith.constant 63 : i32
    %min3A_66 = vector.broadcast %min3A_65 : i32 to vector<64x1xi32>
    %min3A_67 = arith.minsi %max3A_64, %min3A_66 : vector<64x1xi32>
    %iota3A_68 = tpu.iota {dimensions = array<i32: 0>} : vector<64x1xi32>
    %mul3A_69 = arith.constant 64 : i32
    %mul3A_70 = vector.broadcast %mul3A_69 : i32 to vector<64x1xi32>
    %mul3A_71 = arith.muli %iota3A_68, %mul3A_70 : vector<64x1xi32>
    %add3A_72 = arith.addi %mul3A_71, %min3A_67 : vector<64x1xi32>
    %eq3A_73 = vector.broadcast %add3A_72 : vector<64x1xi32> to vector<64x4096xi32>
    %eq3A_74 = arith.cmpi eq, %iota3A, %eq3A_73 : vector<64x4096xi32>
    %convert_element_type3A_75 = arith.extui %eq3A_74 : vector<64x4096xi1> to vector<64x4096xi32>
    %convert_element_type3A_76 = arith.sitofp %convert_element_type3A_75 : vector<64x4096xi32> to vector<64x4096xf32>
    %get3A_77 = arith.constant 2 : index
    %get3A_78 = arith.constant 0 : index
    %get3A_79 = arith.constant 0 : index
    %get3A_80 = arith.constant 0 : index
    %get3A_81 = vector.load %arg1[%get3A_77, %get3A_78, %get3A_79, %get3A_80] : memref<4x64x64x64xf32, #tpu.memory_space<vmem>>, vector<1x64x64x64xf32>
    %get3A_82 = vector.shape_cast %get3A_81 : vector<1x64x64x64xf32> to vector<64x64x64xf32>
    %reshape3A_83 = vector.shape_cast %get3A_82 : vector<64x64x64xf32> to vector<4096x64xf32>
    %dot_general3A_84 = arith.constant dense<0.000000e+00> : vector<64x64xf32>
    %dot_general3A_85 = tpu.matmul %convert_element_type3A_76, %reshape3A_83, %dot_general3A_84 {dimension_numbers = #tpu.dot_dimension_numbers<[1], [0], [0], [1], [0, 0, 1, 1], [], []>, transpose_lhs_hint = false} : vector<64x4096xf32>, vector<4096x64xf32>, vector<64x64xf32> -> vector<64x64xf32>
    %swap3A_86 = arith.constant 128 : index
    %swap3A_87 = arith.constant 0 : index
    %swap3A_88 = vector.load %arg3[%swap3A_86, %swap3A_87] : memref<256x64xf32, #tpu.memory_space<vmem>>, vector<64x64xf32>
    tpu.vector_store %arg3[%swap3A_86, %swap3A_87], %dot_general3A_85 {strides = array<i32>} : memref<256x64xf32, #tpu.memory_space<vmem>>, vector<64x64xf32>,
    %get3A_89 = arith.constant 3 : index
    %get3A_90 = arith.constant 0 : index
    %get3A_91 = arith.constant 0 : index
    %get3A_92 = vector.load %arg2[%get3A_89, %get3A_90, %get3A_91] : memref<4x64x1xf32, #tpu.memory_space<vmem>>, vector<1x64x1xf32>
    %get3A_93 = vector.shape_cast %get3A_92 : vector<1x64x1xf32> to vector<64x1xf32>
    %convert_element_type3A_94 = arith.fptosi %get3A_93 : vector<64x1xf32> to vector<64x1xi32>
    %max3A_95 = arith.constant 0 : i32
    %max3A_96 = vector.broadcast %max3A_95 : i32 to vector<64x1xi32>
    %max3A_97 = arith.maxsi %convert_element_type3A_94, %max3A_96 : vector<64x1xi32>
    %min3A_98 = arith.constant 63 : i32
    %min3A_99 = vector.broadcast %min3A_98 : i32 to vector<64x1xi32>
    %min3A_100 = arith.minsi %max3A_97, %min3A_99 : vector<64x1xi32>
    %iota3A_101 = tpu.iota {dimensions = array<i32: 0>} : vector<64x1xi32>
    %mul3A_102 = arith.constant 64 : i32
    %mul3A_103 = vector.broadcast %mul3A_102 : i32 to vector<64x1xi32>
    %mul3A_104 = arith.muli %iota3A_101, %mul3A_103 : vector<64x1xi32>
    %add3A_105 = arith.addi %mul3A_104, %min3A_100 : vector<64x1xi32>
    %eq3A_106 = vector.broadcast %add3A_105 : vector<64x1xi32> to vector<64x4096xi32>
    %eq3A_107 = arith.cmpi eq, %iota3A, %eq3A_106 : vector<64x4096xi32>
    %convert_element_type3A_108 = arith.extui %eq3A_107 : vector<64x4096xi1> to vector<64x4096xi32>
    %convert_element_type3A_109 = arith.sitofp %convert_element_type3A_108 : vector<64x4096xi32> to vector<64x4096xf32>
    %get3A_110 = arith.constant 3 : index
    %get3A_111 = arith.constant 0 : index
    %get3A_112 = arith.constant 0 : index
    %get3A_113 = arith.constant 0 : index
    %get3A_114 = vector.load %arg1[%get3A_110, %get3A_111, %get3A_112, %get3A_113] : memref<4x64x64x64xf32, #tpu.memory_space<vmem>>, vector<1x64x64x64xf32>
    %get3A_115 = vector.shape_cast %get3A_114 : vector<1x64x64x64xf32> to vector<64x64x64xf32>
    %reshape3A_116 = vector.shape_cast %get3A_115 : vector<64x64x64xf32> to vector<4096x64xf32>
    %dot_general3A_117 = arith.constant dense<0.000000e+00> : vector<64x64xf32>
    %dot_general3A_118 = tpu.matmul %convert_element_type3A_109, %reshape3A_116, %dot_general3A_117 {dimension_numbers = #tpu.dot_dimension_numbers<[1], [0], [0], [1], [0, 0, 1, 1], [], []>, transpose_lhs_hint = false} : vector<64x4096xf32>, vector<4096x64xf32>, vector<64x64xf32> -> vector<64x64xf32>
    %swap3A_119 = arith.constant 192 : index
    %swap3A_120 = arith.constant 0 : index
    %swap3A_121 = vector.load %arg3[%swap3A_119, %swap3A_120] : memref<256x64xf32, #tpu.memory_space<vmem>>, vector<64x64xf32>
    tpu.vector_store %arg3[%swap3A_119, %swap3A_120], %dot_general3A_118 {strides = array<i32>} : memref<256x64xf32, #tpu.memory_space<vmem>>, vector<64x64xf32>,
    return
  }
  func.func @transform_0(%arg0: i32) -> (i32, i32, i32, i32) {
    %c0_i32 = arith.constant 0 : i32
    %c0_i32_0 = arith.constant 0 : i32
    %c0_i32_1 = arith.constant 0 : i32
    %c0_i32_2 = arith.constant 0 : i32
    return %arg0, %c0_i32, %c0_i32_0, %c0_i32_1 : i32, i32, i32, i32
  }
  func.func @transform_1(%arg0: i32) -> (i32, i32, i32) {
    %c0_i32 = arith.constant 0 : i32
    %c0_i32_0 = arith.constant 0 : i32
    %c0_i32_1 = arith.constant 0 : i32
    return %arg0, %c0_i32, %c0_i32_0 : i32, i32, i32
  }
  func.func @transform_2(%arg0: i32) -> (i32, i32) {
    %c0_i32 = arith.constant 0 : i32
    %c0_i32_0 = arith.constant 0 : i32
    return %arg0, %c0_i32 : i32, i32
  }
}

module attributes {stable_mosaic.version = 14 : i64} {
  func.func @_tc_bias_kernel(%arg0: memref<64x64xf32, #tpu.memory_space<vmem>>, %arg1: memref<64x64xf32, #tpu.memory_space<vmem>>, %arg2: memref<64x64xf32, #tpu.memory_space<vmem>>, %arg3: memref<64x64xf32, #tpu.memory_space<vmem>>, %arg4: memref<64x64xf32, #tpu.memory_space<vmem>>, %arg5: memref<64x64xf32, #tpu.memory_space<vmem>>, %arg6: memref<64x64xf32, #tpu.memory_space<vmem>>, %arg7: memref<64x64xf32, #tpu.memory_space<vmem>>, %arg8: memref<64x64x1xf32, #tpu.memory_space<vmem>>, %arg9: memref<64x64x1xf32, #tpu.memory_space<vmem>>, %arg10: memref<64x64xf32, #tpu.memory_space<vmem>>, %arg11: memref<5x64x64xf32, #tpu.memory_space<vmem>>) attributes {dimension_semantics = [], scalar_prefetch = 0 : i64, scratch_operands = 0 : i64, tpu.core_type = #tpu.core_type<tc>} {
    %get3A = arith.constant 0 : index
    %get3A_0 = arith.constant 0 : index
    %get3A_1 = vector.load %arg0[%get3A, %get3A_0] : memref<64x64xf32, #tpu.memory_space<vmem>>, vector<64x64xf32>
    %get3A_2 = arith.constant 0 : index
    %get3A_3 = arith.constant 0 : index
    %get3A_4 = vector.load %arg1[%get3A_2, %get3A_3] : memref<64x64xf32, #tpu.memory_space<vmem>>, vector<64x64xf32>
    %get3A_5 = arith.constant 0 : index
    %get3A_6 = arith.constant 0 : index
    %get3A_7 = vector.load %arg2[%get3A_5, %get3A_6] : memref<64x64xf32, #tpu.memory_space<vmem>>, vector<64x64xf32>
    %sub3A = arith.subf %get3A_7, %get3A_1 : vector<64x64xf32>
    %get3A_8 = arith.constant 0 : index
    %get3A_9 = arith.constant 0 : index
    %get3A_10 = vector.load %arg3[%get3A_8, %get3A_9] : memref<64x64xf32, #tpu.memory_space<vmem>>, vector<64x64xf32>
    %sub3A_11 = arith.subf %get3A_10, %get3A_4 : vector<64x64xf32>
    %mul3A = arith.mulf %sub3A, %sub3A : vector<64x64xf32>
    %mul3A_12 = arith.mulf %sub3A_11, %sub3A_11 : vector<64x64xf32>
    %add3A = arith.addf %mul3A, %mul3A_12 : vector<64x64xf32>
    %sqrt3A = math.sqrt %add3A : vector<64x64xf32>
    %add3A_13 = arith.constant 9.99999993E-9 : f32
    %add3A_14 = vector.broadcast %add3A_13 : f32 to vector<64x64xf32>
    %add3A_15 = arith.addf %sqrt3A, %add3A_14 : vector<64x64xf32>
    %div3A = arith.divf %sub3A, %add3A_15 : vector<64x64xf32>
    %div3A_16 = arith.divf %sub3A_11, %add3A_15 : vector<64x64xf32>
    %get3A_17 = arith.constant 0 : index
    %get3A_18 = arith.constant 0 : index
    %get3A_19 = arith.constant 0 : index
    %get3A_20 = vector.load %arg8[%get3A_17, %get3A_18, %get3A_19] : memref<64x64x1xf32, #tpu.memory_space<vmem>>, vector<64x64x1xf32>
    %broadcast_in_dim3A = vector.shape_cast %get3A_1 : vector<64x64xf32> to vector<64x1x64xf32>
    %broadcast_in_dim3A_21 = vector.broadcast %broadcast_in_dim3A : vector<64x1x64xf32> to vector<64x64x64xf32>
    %sub3A_22 = vector.broadcast %get3A_20 : vector<64x64x1xf32> to vector<64x64x64xf32>
    %sub3A_23 = arith.subf %sub3A_22, %broadcast_in_dim3A_21 : vector<64x64x64xf32>
    %get3A_24 = arith.constant 0 : index
    %get3A_25 = arith.constant 0 : index
    %get3A_26 = arith.constant 0 : index
    %get3A_27 = vector.load %arg9[%get3A_24, %get3A_25, %get3A_26] : memref<64x64x1xf32, #tpu.memory_space<vmem>>, vector<64x64x1xf32>
    %broadcast_in_dim3A_28 = vector.shape_cast %get3A_4 : vector<64x64xf32> to vector<64x1x64xf32>
    %broadcast_in_dim3A_29 = vector.broadcast %broadcast_in_dim3A_28 : vector<64x1x64xf32> to vector<64x64x64xf32>
    %sub3A_30 = vector.broadcast %get3A_27 : vector<64x64x1xf32> to vector<64x64x64xf32>
    %sub3A_31 = arith.subf %sub3A_30, %broadcast_in_dim3A_29 : vector<64x64x64xf32>
    %mul3A_32 = arith.mulf %sub3A_23, %sub3A_23 : vector<64x64x64xf32>
    %mul3A_33 = arith.mulf %sub3A_31, %sub3A_31 : vector<64x64x64xf32>
    %add3A_34 = arith.addf %mul3A_32, %mul3A_33 : vector<64x64x64xf32>
    %add3A_35 = arith.constant 9.99999996E-13 : f32
    %add3A_36 = vector.broadcast %add3A_35 : f32 to vector<64x64x64xf32>
    %add3A_37 = arith.addf %add3A_34, %add3A_36 : vector<64x64x64xf32>
    %sqrt3A_38 = math.sqrt %add3A_37 : vector<64x64x64xf32>
    %le3A = arith.constant 3.000000e+00 : f32
    %le3A_39 = vector.broadcast %le3A : f32 to vector<64x64x64xf32>
    %le3A_40 = arith.cmpf ole, %sqrt3A_38, %le3A_39 : vector<64x64x64xf32>
    %gt3A = arith.constant 1.000000e-01 : f32
    %gt3A_41 = vector.broadcast %gt3A : f32 to vector<64x64x64xf32>
    %gt3A_42 = arith.cmpf ogt, %sqrt3A_38, %gt3A_41 : vector<64x64x64xf32>
    %and3A = arith.andi %le3A_40, %gt3A_42 : vector<64x64x64xi1>
    %add3A_43 = arith.constant 9.99999993E-9 : f32
    %add3A_44 = vector.broadcast %add3A_43 : f32 to vector<64x64x64xf32>
    %add3A_45 = arith.addf %sqrt3A_38, %add3A_44 : vector<64x64x64xf32>
    %div3A_46 = arith.constant 1.000000e+00 : f32
    %div3A_47 = vector.broadcast %div3A_46 : f32 to vector<64x64x64xf32>
    %div3A_48 = arith.divf %div3A_47, %add3A_45 : vector<64x64x64xf32>
    %jit3A = arith.constant 0.000000e+00 : f32
    %broadcast_in_dim3A_49 = vector.broadcast %jit3A : f32 to vector<64x64x64xf32>
    %select_n3A = arith.select %and3A, %div3A_48, %broadcast_in_dim3A_49 : vector<64x64x64xi1>, vector<64x64x64xf32>
    %reduce_sum3A = arith.constant dense<0.000000e+00> : vector<64x64xf32>
    %reduce_sum3A_50 = vector.multi_reduction <add>, %select_n3A, %reduce_sum3A [2] : vector<64x64x64xf32> to vector<64x64xf32>
    %add3A_51 = arith.constant 9.99999993E-9 : f32
    %add3A_52 = vector.broadcast %add3A_51 : f32 to vector<64x64xf32>
    %add3A_53 = arith.addf %reduce_sum3A_50, %add3A_52 : vector<64x64xf32>
    %get3A_54 = arith.constant 0 : index
    %get3A_55 = arith.constant 0 : index
    %get3A_56 = vector.load %arg4[%get3A_54, %get3A_55] : memref<64x64xf32, #tpu.memory_space<vmem>>, vector<64x64xf32>
    %mul3A_57 = arith.constant 8.000000e-01 : f32
    %mul3A_58 = vector.broadcast %mul3A_57 : f32 to vector<64x64xf32>
    %mul3A_59 = arith.mulf %mul3A_58, %get3A_56 : vector<64x64xf32>
    %get3A_60 = arith.constant 0 : index
    %get3A_61 = arith.constant 0 : index
    %get3A_62 = vector.load %arg6[%get3A_60, %get3A_61] : memref<64x64xf32, #tpu.memory_space<vmem>>, vector<64x64xf32>
    %sub3A_63 = arith.subf %get3A_1, %get3A_62 : vector<64x64xf32>
    %mul3A_64 = arith.constant 2.000000e-01 : f32
    %mul3A_65 = vector.broadcast %mul3A_64 : f32 to vector<64x64xf32>
    %mul3A_66 = arith.mulf %mul3A_65, %sub3A_63 : vector<64x64xf32>
    %add3A_67 = arith.addf %mul3A_59, %mul3A_66 : vector<64x64xf32>
    %get3A_68 = arith.constant 0 : index
    %get3A_69 = arith.constant 0 : index
    %get3A_70 = vector.load %arg5[%get3A_68, %get3A_69] : memref<64x64xf32, #tpu.memory_space<vmem>>, vector<64x64xf32>
    %mul3A_71 = arith.constant 8.000000e-01 : f32
    %mul3A_72 = vector.broadcast %mul3A_71 : f32 to vector<64x64xf32>
    %mul3A_73 = arith.mulf %mul3A_72, %get3A_70 : vector<64x64xf32>
    %get3A_74 = arith.constant 0 : index
    %get3A_75 = arith.constant 0 : index
    %get3A_76 = vector.load %arg7[%get3A_74, %get3A_75] : memref<64x64xf32, #tpu.memory_space<vmem>>, vector<64x64xf32>
    %sub3A_77 = arith.subf %get3A_4, %get3A_76 : vector<64x64xf32>
    %mul3A_78 = arith.constant 2.000000e-01 : f32
    %mul3A_79 = vector.broadcast %mul3A_78 : f32 to vector<64x64xf32>
    %mul3A_80 = arith.mulf %mul3A_79, %sub3A_77 : vector<64x64xf32>
    %add3A_81 = arith.addf %mul3A_73, %mul3A_80 : vector<64x64xf32>
    %broadcast_in_dim3A_82 = vector.shape_cast %add3A_67 : vector<64x64xf32> to vector<64x1x64xf32>
    %broadcast_in_dim3A_83 = vector.broadcast %broadcast_in_dim3A_82 : vector<64x1x64xf32> to vector<64x64x64xf32>
    %mul3A_84 = arith.mulf %select_n3A, %broadcast_in_dim3A_83 : vector<64x64x64xf32>
    %reduce_sum3A_85 = arith.constant dense<0.000000e+00> : vector<64x64xf32>
    %reduce_sum3A_86 = vector.multi_reduction <add>, %mul3A_84, %reduce_sum3A_85 [2] : vector<64x64x64xf32> to vector<64x64xf32>
    %div3A_87 = arith.divf %reduce_sum3A_86, %add3A_53 : vector<64x64xf32>
    %broadcast_in_dim3A_88 = vector.shape_cast %add3A_81 : vector<64x64xf32> to vector<64x1x64xf32>
    %broadcast_in_dim3A_89 = vector.broadcast %broadcast_in_dim3A_88 : vector<64x1x64xf32> to vector<64x64x64xf32>
    %mul3A_90 = arith.mulf %select_n3A, %broadcast_in_dim3A_89 : vector<64x64x64xf32>
    %reduce_sum3A_91 = arith.constant dense<0.000000e+00> : vector<64x64xf32>
    %reduce_sum3A_92 = vector.multi_reduction <add>, %mul3A_90, %reduce_sum3A_91 [2] : vector<64x64x64xf32> to vector<64x64xf32>
    %div3A_93 = arith.divf %reduce_sum3A_92, %add3A_53 : vector<64x64xf32>
    %get3A_94 = arith.constant 0 : index
    %get3A_95 = arith.constant 0 : index
    %get3A_96 = vector.load %arg10[%get3A_94, %get3A_95] : memref<64x64xf32, #tpu.memory_space<vmem>>, vector<64x64xf32>
    %mul3A_97 = arith.constant 5.000000e-01 : f32
    %mul3A_98 = vector.broadcast %mul3A_97 : f32 to vector<64x64xf32>
    %mul3A_99 = arith.mulf %mul3A_98, %get3A_96 : vector<64x64xf32>
    %swap3A = arith.constant 0 : index
    %swap3A_100 = arith.constant 0 : index
    %swap3A_101 = arith.constant 0 : index
    %swap3A_102 = vector.load %arg11[%swap3A, %swap3A_100, %swap3A_101] : memref<5x64x64xf32, #tpu.memory_space<vmem>>, vector<1x64x64xf32>
    %swap3A_103 = vector.shape_cast %swap3A_102 : vector<1x64x64xf32> to vector<64x64xf32>
    %swap3A_104 = vector.shape_cast %mul3A_99 : vector<64x64xf32> to vector<1x64x64xf32>
    tpu.vector_store %arg11[%swap3A, %swap3A_100, %swap3A_101], %swap3A_104 {strides = array<i32>} : memref<5x64x64xf32, #tpu.memory_space<vmem>>, vector<1x64x64xf32>,
    %add3A_105 = arith.constant 1.000000e+00 : f32
    %add3A_106 = vector.broadcast %add3A_105 : f32 to vector<64x64xf32>
    %add3A_107 = arith.addf %div3A, %add3A_106 : vector<64x64xf32>
    %mul3A_108 = arith.mulf %add3A_107, %mul3A_99 : vector<64x64xf32>
    %mul3A_109 = arith.constant 5.000000e-01 : f32
    %mul3A_110 = vector.broadcast %mul3A_109 : f32 to vector<64x64xf32>
    %mul3A_111 = arith.mulf %mul3A_110, %div3A_87 : vector<64x64xf32>
    %add3A_112 = arith.addf %mul3A_108, %mul3A_111 : vector<64x64xf32>
    %swap3A_113 = arith.constant 1 : index
    %swap3A_114 = arith.constant 0 : index
    %swap3A_115 = arith.constant 0 : index
    %swap3A_116 = vector.load %arg11[%swap3A_113, %swap3A_114, %swap3A_115] : memref<5x64x64xf32, #tpu.memory_space<vmem>>, vector<1x64x64xf32>
    %swap3A_117 = vector.shape_cast %swap3A_116 : vector<1x64x64xf32> to vector<64x64xf32>
    %swap3A_118 = vector.shape_cast %add3A_112 : vector<64x64xf32> to vector<1x64x64xf32>
    tpu.vector_store %arg11[%swap3A_113, %swap3A_114, %swap3A_115], %swap3A_118 {strides = array<i32>} : memref<5x64x64xf32, #tpu.memory_space<vmem>>, vector<1x64x64xf32>,
    %add3A_119 = arith.constant 1.000000e+00 : f32
    %add3A_120 = vector.broadcast %add3A_119 : f32 to vector<64x64xf32>
    %add3A_121 = arith.addf %div3A_16, %add3A_120 : vector<64x64xf32>
    %mul3A_122 = arith.mulf %add3A_121, %mul3A_99 : vector<64x64xf32>
    %mul3A_123 = arith.constant 5.000000e-01 : f32
    %mul3A_124 = vector.broadcast %mul3A_123 : f32 to vector<64x64xf32>
    %mul3A_125 = arith.mulf %mul3A_124, %div3A_93 : vector<64x64xf32>
    %add3A_126 = arith.addf %mul3A_122, %mul3A_125 : vector<64x64xf32>
    %swap3A_127 = arith.constant 2 : index
    %swap3A_128 = arith.constant 0 : index
    %swap3A_129 = arith.constant 0 : index
    %swap3A_130 = vector.load %arg11[%swap3A_127, %swap3A_128, %swap3A_129] : memref<5x64x64xf32, #tpu.memory_space<vmem>>, vector<1x64x64xf32>
    %swap3A_131 = vector.shape_cast %swap3A_130 : vector<1x64x64xf32> to vector<64x64xf32>
    %swap3A_132 = vector.shape_cast %add3A_126 : vector<64x64xf32> to vector<1x64x64xf32>
    tpu.vector_store %arg11[%swap3A_127, %swap3A_128, %swap3A_129], %swap3A_132 {strides = array<i32>} : memref<5x64x64xf32, #tpu.memory_space<vmem>>, vector<1x64x64xf32>,
    %sub3A_133 = arith.constant 1.000000e+00 : f32
    %sub3A_134 = vector.broadcast %sub3A_133 : f32 to vector<64x64xf32>
    %sub3A_135 = arith.subf %sub3A_134, %div3A : vector<64x64xf32>
    %mul3A_136 = arith.mulf %sub3A_135, %mul3A_99 : vector<64x64xf32>
    %mul3A_137 = arith.constant 5.000000e-01 : f32
    %mul3A_138 = vector.broadcast %mul3A_137 : f32 to vector<64x64xf32>
    %mul3A_139 = arith.mulf %mul3A_138, %div3A_87 : vector<64x64xf32>
    %sub3A_140 = arith.subf %mul3A_136, %mul3A_139 : vector<64x64xf32>
    %swap3A_141 = arith.constant 3 : index
    %swap3A_142 = arith.constant 0 : index
    %swap3A_143 = arith.constant 0 : index
    %swap3A_144 = vector.load %arg11[%swap3A_141, %swap3A_142, %swap3A_143] : memref<5x64x64xf32, #tpu.memory_space<vmem>>, vector<1x64x64xf32>
    %swap3A_145 = vector.shape_cast %swap3A_144 : vector<1x64x64xf32> to vector<64x64xf32>
    %swap3A_146 = vector.shape_cast %sub3A_140 : vector<64x64xf32> to vector<1x64x64xf32>
    tpu.vector_store %arg11[%swap3A_141, %swap3A_142, %swap3A_143], %swap3A_146 {strides = array<i32>} : memref<5x64x64xf32, #tpu.memory_space<vmem>>, vector<1x64x64xf32>,
    %sub3A_147 = arith.constant 1.000000e+00 : f32
    %sub3A_148 = vector.broadcast %sub3A_147 : f32 to vector<64x64xf32>
    %sub3A_149 = arith.subf %sub3A_148, %div3A_16 : vector<64x64xf32>
    %mul3A_150 = arith.mulf %sub3A_149, %mul3A_99 : vector<64x64xf32>
    %mul3A_151 = arith.constant 5.000000e-01 : f32
    %mul3A_152 = vector.broadcast %mul3A_151 : f32 to vector<64x64xf32>
    %mul3A_153 = arith.mulf %mul3A_152, %div3A_93 : vector<64x64xf32>
    %sub3A_154 = arith.subf %mul3A_150, %mul3A_153 : vector<64x64xf32>
    %swap3A_155 = arith.constant 4 : index
    %swap3A_156 = arith.constant 0 : index
    %swap3A_157 = arith.constant 0 : index
    %swap3A_158 = vector.load %arg11[%swap3A_155, %swap3A_156, %swap3A_157] : memref<5x64x64xf32, #tpu.memory_space<vmem>>, vector<1x64x64xf32>
    %swap3A_159 = vector.shape_cast %swap3A_158 : vector<1x64x64xf32> to vector<64x64xf32>
    %swap3A_160 = vector.shape_cast %sub3A_154 : vector<64x64xf32> to vector<1x64x64xf32>
    tpu.vector_store %arg11[%swap3A_155, %swap3A_156, %swap3A_157], %swap3A_160 {strides = array<i32>} : memref<5x64x64xf32, #tpu.memory_space<vmem>>, vector<1x64x64xf32>,
    return
  }
}

</mosaic_0001>

<sc_bundles>
// kernel: kernel.5.cloned.1.call-start
scs
__scs_entry_jumppad:
0x0: {  	(pc) =	sbr.rel $0x88, $3  }
0x1: {  	(tag) =	ssettag $0x0;
	lr =	simm.s32 $0x1  }
0x2: {  	[smem:$0x3F9B] =	sst lr;
	_ =	strace $0xD0000000  }
0x3: {  	_ = 	snop  }
0x4: {  	_ = 	snop  }
0x5: {  	_ = 	snop  }
0x6: {  	_ = 	snop  }
0x7: {  	_ = 	snop  }
__scs_overlays_trampoline_lowered:
0x8: {  	[smem:$0x3FAA] =	sst s0  }
0x9: {  	[smem:$0x3FAB] =	sst s1  }
0xa: {  	[smem:$0x3FAC] =	sst s2  }
0xb: {  	[smem:$0x3FAD] =	sst s3  }
0xc: {  	[smem:$0x3FAE] =	sst s4  }
0xd: {  	[smem:$0x3FAF] =	sst s5  }
0xe: {  	[smem:$0x3FB0] =	sst s6  }
0xf: {  	[smem:$0x3FB1] =	sst s7  }
0x10: {  	[smem:$0x3FB2] =	sst s8  }
0x11: {  	[smem:$0x3FB3] =	sst s9;
	s0 =	simm.s32 @!p0 $0x0  }
0x12: {  	s1 =	sld [smem:$0x3F99];
	s0 =	simm.s32 @p0 $0x1  }
0x13: {  	[smem:$0x3FB4] =	sst s0;
	s0 =	simm.s32 @!p1 $0x0  }
0x14: {  	s2 =	sld [smem:$0x3F98];
	s0 =	simm.s32 @p1 $0x1  }
0x15: {  	[smem:$0x3FB5] =	sst s0;
	s0 =	simm.s32 @!p2 $0x0  }
0x16: {  	s3 =	sld [smem:$0x3FDB];
	s0 =	simm.s32 @p2 $0x1  }
0x17: {  	s4 =	simm.s32 $0x1BF5;
	[smem:$0x3FB7] =	sst s0  }
0x18: {  	s0 =	sld [smem:$0x3F9A];
	_ =	swait.ge [sflag:s4], $0x0  }
0x19: {  	s7 =	sld [smem:$0x3F9B]  }
0x1a: {  	s8 =	sadd.s32 $0xFFFFE003, lr  }
0x1b: {  	s9 =	sadd.s32 $0xFFFFFEF7, lr;
	s5 =	simm.s32 $0xFFFFFFFF;
	p2 =	slt.u32 s8, $0xFFFFF086  }
0x1c: {  	p1 =	slt.u32 s9, $0xF7A;
	s5 =	simm.s32 @!p2 $0x0  }
0x1d: {  	s5 =	simm.s32 @p1 $0x1;
	p0 =	seq.s32 s7, s2  }
0x1e: {  	s7 =	smul.u32 @!p0 $0xF7A, s2;
	p2 =	seq.s32 @!p0 s5, $0x0  }
0x1f: {  	s9 =	smul.u32 $0xF7A, s1;
	s8 =	simm.s32 @!p0 $0x1BF5;
	p2 =	por !p2, p0  }
0x20: {  	[sflag:s8] =	ssyncset.s32 @!p0 $0xFFFFF086;
	s6 =	sadd.s32 @!p0 s3, s7;
	s7 =	simm.s32 @!p0 $0x108  }
0x21: {  	s3 =	sadd.s32 s3, s9;
	s6 =	sadd.s32 @!p0 $0x88, s6;
	s7 =	simm.s32 @p2 $0x1082  }
0x22: {  	[simem:s7], [sflag:s8] =	dma.local @!p0 [hbm:s6], $0xF7A  }
0x23: {  	s9 =	sor.u32 $0xD0000000, s2;
	s6 =	simm.s32 $0x108;
	_ =	swait.ge @!p0 [sflag:s8], $0x0  }
0x24: {  	s3 =	sadd.s32 $0x88, s3;
	s6 =	simm.s32 @!p1 $0x1082;
	[sflag:s4] =	ssyncset.s32 $0xFFFFF086  }
0x25: {  	[simem:s6], [sflag:s4] =	dma.local [hbm:s3], $0xF7A  }
0x26: {  	[smem:$0x3F9B] =	sst s1;
	(tag) =	ssettag s2;
	_ =	strace s9  }
0x27: {  	s1 =	sld [smem:$0x3FAB]  }
0x28: {  	s2 =	sld [smem:$0x3FAC]  }
0x29: {  	s4 =	sld [smem:$0x3FAE]  }
0x2a: {  	p0 =	seq.s32 s5, $0x0;
	s5 =	sld [smem:$0x3FAF]  }
0x2b: {  	s6 =	sld [smem:$0x3FB0]  }
0x2c: {  	s7 =	sld [smem:$0x3FB1]  }
0x2d: {  	s3 =	simm.s32 $0x108;
	s8 =	sld [smem:$0x3FB2]  }
0x2e: {  	s3 =	simm.s32 @!p0 $0x1082;
	s9 =	sld [smem:$0x3FB3]  }
0x2f: {  	lr =	sadd.s32 s0, s3;
	s0 =	sld [smem:$0x3FAA]  }
0x30: {  	s3 =	sld [smem:$0x3FAD]  }
0x31: {  	[smem:$0x3FB6] =	sst s10  }
0x32: {  	s10 =	sld [smem:$0x3FB4];
	_ =	sdelay $0x3  }
0x33: {  	p0 =	seq.s32 s10, $0x1;
	s10 =	sld [smem:$0x3FB6];
	_ =	sdelay $0x3  }
0x34: {  	[smem:$0x3FB6] =	sst s10  }
0x35: {  	s10 =	sld [smem:$0x3FB5];
	_ =	sdelay $0x3  }
0x36: {  	p1 =	seq.s32 s10, $0x1;
	s10 =	sld [smem:$0x3FB6];
	_ =	sdelay $0x3  }
0x37: {  	[smem:$0x3FB6] =	sst s10  }
0x38: {  	s10 =	sld [smem:$0x3FB7]  }
0x39: {  	_ = 	snop;
	(pc) =	sbr.ind lr, $3  }
0x3a: {  	_ = 	snop  }
0x3b: {  	_ = 	snop  }
0x3c: {  	p2 =	seq.s32 s10, $0x1;
	s10 =	sld [smem:$0x3FB6]  }
0x3d: {  	_ =	shalt  }
0x3e: {  	_ =	shalt  }
0x3f: {  	_ =	shalt  }
0x40: {  	_ =	shalt  }
0x41: {  	_ =	shalt  }
0x42: {  	_ =	shalt  }
0x43: {  	_ =	shalt  }
0x44: {  	_ =	shalt  }
0x45: {  	_ =	shalt  }
0x46: {  	_ =	shalt  }
0x47: {  	_ =	shalt  }
0x48: {  	_ =	shalt  }
0x49: {  	_ =	shalt  }
0x4a: {  	_ =	shalt  }
0x4b: {  	_ =	shalt  }
0x4c: {  	_ =	shalt  }
0x4d: {  	_ =	shalt  }
0x4e: {  	_ =	shalt  }
0x4f: {  	_ =	shalt  }
0x50: {  	_ =	shalt  }
0x51: {  	_ =	shalt  }
0x52: {  	_ =	shalt  }
0x53: {  	_ =	shalt  }
0x54: {  	_ =	shalt  }
0x55: {  	_ =	shalt  }
0x56: {  	_ =	shalt  }
0x57: {  	_ =	shalt  }
0x58: {  	_ =	shalt  }
0x59: {  	_ =	shalt  }
0x5a: {  	_ =	shalt  }
0x5b: {  	_ =	shalt  }
0x5c: {  	_ =	shalt  }
0x5d: {  	_ =	shalt  }
0x5e: {  	_ =	shalt  }
0x5f: {  	_ =	shalt  }
0x60: {  	_ =	shalt  }
0x61: {  	_ =	shalt  }
0x62: {  	_ =	shalt  }
0x63: {  	_ =	shalt  }
0x64: {  	_ =	shalt  }
0x65: {  	_ =	shalt  }
0x66: {  	_ =	shalt  }
0x67: {  	_ =	shalt  }
0x68: {  	_ =	shalt  }
0x69: {  	_ =	shalt  }
0x6a: {  	_ =	shalt  }
0x6b: {  	_ =	shalt  }
0x6c: {  	_ =	shalt  }
0x6d: {  	_ =	shalt  }
0x6e: {  	_ =	shalt  }
0x6f: {  	_ =	shalt  }
0x70: {  	_ =	shalt  }
0x71: {  	_ =	shalt  }
0x72: {  	_ =	shalt  }
0x73: {  	_ =	shalt  }
0x74: {  	_ =	shalt  }
0x75: {  	_ =	shalt  }
0x76: {  	_ =	shalt  }
0x77: {  	_ =	shalt  }
0x78: {  	_ =	shalt  }
0x79: {  	_ =	shalt  }
0x7a: {  	_ =	shalt  }
0x7b: {  	_ =	shalt  }
0x7c: {  	_ =	shalt  }
0x7d: {  	_ =	shalt  }
0x7e: {  	_ =	shalt  }
0x7f: {  	_ =	shalt  }
0x80: {  	_ =	shalt  }
0x81: {  	_ =	shalt  }
0x82: {  	_ =	shalt  }
0x83: {  	_ =	shalt  }
0x84: {  	_ =	shalt  }
0x85: {  	_ =	shalt  }
0x86: {  	_ =	shalt  }
0x87: {  	_ =	shalt  }
.Lfunc_end0:
.L_simem_size_0:
called_computation_lowered:
.L_overlay_start_0:
0x88: {  	s2 =	sld [smem:$0x3FD9]  }
0x89: {  	s3 =	sld [smem:$0x3FFE];
	_ =	sdelay $0x1  }
0x8a: {  	s1 =	srdreg.scid  }
0x8b: {  	s0 =	sand.u32 $0x1, s1  }
0x8c: {  	s17 =	sshll.u32 s0, $0xA;
	s2 =	sadd.s32 s3, s2  }
0x8d: {  	s2 =	sadd.s32 s2, s17  }
0x8e: {  	[smem:$0x3FC2] =	sst s2  }
0x8f: {  	_ = 	snop  }
0x90: {  	s2 =	sld [smem:$0x3FD0];
	(tm) =	ssettm $0x1  }
0x91: {  	s18 =	sld [smem:$0x3FFB];
	_ =	sdelay $0x3  }
0x92: {  	_ =	strace s18  }
0x93: {  	s3 =	sld [smem:$0x3FFC];
	_ =	sdelay $0x3  }
0x94: {  	_ =	strace s3  }
0x95: {  	s3 =	sld [smem:$0x3FFD];
	_ =	sdelay $0x3  }
0x96: {  	_ =	strace s3  }
0x97: {  	_ =	strace $0x8FFFFFFF  }
0x98: {  	s19 =	sld [smem:$0x3FDB];
	_ =	sdelay $0x1  }
0x99: {  	s4 =	simm.s32 $_scs_section_size  }
0x9a: {  	s5 =	simm.s32 $_size__tile_overlayer_lowered;
	s6 =	simm.s32 $_tile_overlayer_lowered  }
0x9b: {  	s22 =	simm.s32 $0x1BFF;
	s21 =	sshll.u32 s6, $0x1;
	s3 =	sadd.s32 s4, s19  }
0x9c: {  	s7 =	simm.s32 $0x0;
	s20 =	sshll.u32 s5, $0x1;
	s5 =	sadd.s32 s21, s3  }
0x9d: {  	[timem:s7], [sflag:s22] =	dma.local [hbm:s5], s20  }
0x9e: {  	_ =	swait.ge [sflag:s22], s20  }
0x9f: {  	s4 =	ssub.s32 $0x0, s20;
	[sflag:s22] =	ssyncset.done $0x0  }
0xa0: {  	[sflag:s22] =	ssyncadd.s32 s4;
	_ =	sdelay $0x1  }
0xa1: {  	s23 =	simm.s32 $0x1B8B  }
0xa2: {  	_ =	swait.ge [sflag:s23], $0x1  }
0xa3: {  	[sflag:s23] =	ssyncset.done $0x0  }
0xa4: {  	s25 =	simm.s32 $0x1B8E;
	s24 =	sld [smem:$0x3FFE];
	[sflag:s23] =	ssyncadd.s32 $0xFFFFFFFF  }
0xa5: {  	s26 =	simm.s32 $execute0_lowered;
	[smem:$0x3FD2] =	sst s25  }
0xa6: {  	s5 =	sshll.u32 s26, $0x1;
	_ =	strace $0x80000046;
	[dreg:$0x1] =	wrdreg $0xFFFFFFFF  }
0xa7: {  	s28 =	simm.s32 $_size_execute0_lowered;
	s3 =	sadd.s32 s3, s5;
	[dreg:$0x0] =	wrdreg $0x0  }
0xa8: {  	s5 =	sshll.u32 s28, $0x1;
	[dreg:$0x2] =	wrdreg s3  }
0xa9: {  	[dreg:$0x3] =	wrdreg s5  }
0xaa: {  	[dreg:$0x4] =	wrdreg $0xC0  }
0xab: {  	_ =	task [dreg:s7], $0x5FFFF  }
0xac: {  	[dreg:$0x1] =	wrdreg $0xFFFFFFFF  }
0xad: {  	[dreg:$0x0] =	wrdreg $0x60  }
0xae: {  	[dreg:$0x2] =	wrdreg s24  }
0xaf: {  	[dreg:$0x3] =	wrdreg s2  }
0xb0: {  	[dreg:$0x4] =	wrdreg $0x9  }
0xb1: {  	_ =	task.clear_ibuf [dreg:s7], $0x5FFFF;
	_ =	strace $0x90000046  }
0xb2: {  	s29 =	simm.s32 $0x9;
	_ =	strace $0x80000048  }
0xb3: {  	_ =	swait.ge [sflag:s29], $0x1  }
0xb4: {  	[sflag:s29] =	ssyncadd.s32 $0xFFFFFFFF  }
0xb5: {  	_ =	strace $0x90000048  }
0xb6: {  	_ =	sfence  }
0xb7: {  	s30 =	sld [smem:$0x0];
	_ =	sdelay $0x2  }
0xb8: {  	s31 =	sshll.u32 s1, $0xD;
	s1 =	sshrl.u32 s1, $0x2  }
0xb9: {  	s3 =	sand.u32 $0x4000, s31;
	s1 =	sadd.s32 s1, s30  }
0xba: {  	s0 =	sor.u32 s3, s0;
	s1 =	sshll.u32 s1, $0x11  }
0xbb: {  	s0 =	sor.u32 s1, s0  }
0xbc: {  	s0 =	sadd.s32 $0x8F2B, s0  }
0xbd: {  	[sflag:s0] =	ssyncadd.remote.s32 $0x1  }
0xbe: {  	_ =	sfence.sel $0xFFFF  }
0xbf: {  	[dreg:$0x0] =	wrdreg $0xFFFFFFFF;
	(pc) =	sbr.abs _section_cstart, $3  }
0xc0: {  	[dreg:$0x1] =	wrdreg $0xFFFFFFFF  }
0xc1: {  	_ =	task.clear_ibuf [dreg:s7], $0x2FFFF;
	_ =	strace $0x9FFFFFFF  }
0xc2: {  	(tm) =	ssettm $0x7FFFFFFF  }
0xc3: {  	_ =	shalt  }
tec
execute0_lowered:
.L_overlay_start_1:
0x0: {  	(tag) =	ssettag $0x1  }
0x1: {  	s7 =	rddreg [dreg:$0x0]  }
0x2: {  	s3 =	rddreg [dreg:$0x1];
	s1 =	simm.s32 $0x0  }
0x3: {  	[smem:$0x7FF] =	sst s1  }
0x4: {  	s0 =	rddreg [dreg:$0x2];
	v0 =	vimm.f32 $1.000000000e+01;
	_ =	strace $0x80000047  }
0x5: {  	(erf) = vrcp.f32 v0;
	_ =	sdelay $0x2  }
0x6: {  	s4 =	srdreg.scid  }
0x7: {  	s2 =	stileid.u32;
	s9 =	sand.u32 $0x1, s4  }
0x8: {  	s31 =	sshll.u32 s2, $0x8;
	s5 =	sshll.u32 s9, $0x7  }
0x9: {  	s8 =	sor.u32 s5, s31  }
0xa: {  	s5 =	sshrl.u32 s8, $0x3  }
0xb: {  	s4 =	sadd.s32 s3, s5;
	s3 =	simm.s32 $0x1  }
0xc: {  	[tilespmem:s1], [sflag:$0x1] =	stream.linear.gather [hbm4b:s4+s1], $0x80, $0x38;
	v0 =	vpop (erf);
	[tilespmem:$0x2180] =	vst v63  }
0xd: {  	_ =	swait.ge [sflag:s3], $0x80  }
0xe: {  	s10 =	sadd.s32 s5, s7;
	[sflag:s3] =	ssyncset.done $0x0  }
0xf: {  	s6 =	simm.s32 $0x80;
	s5 =	sadd.s32 $0x9400, s10;
	[sflag:s3] =	ssyncadd.s32 $0xFFFFFF80  }
0x10: {  	[tilespmem:s6], [sflag:$0x1] =	stream.linear.gather [hbm4b:s5+s1], $0x80, $0x38;
	[tilespmem:$0x2180] =	vst v63  }
0x11: {  	s8 =	sshll.u32 s8, $0x3;
	_ =	swait.ge [sflag:s3], $0x80  }
0x12: {  	s7 =	sadd.s32 s8, s7;
	[sflag:s3] =	ssyncset.done $0x0  }
0x13: {  	s8 =	simm.s32 $0x100;
	s7 =	sadd.s32 $0x1400, s7;
	[sflag:s3] =	ssyncadd.s32 $0xFFFFFF80  }
0x14: {  	[tilespmem:s8], [sflag:$0x1] =	stream.linear.gather [hbm4b:s7+s1], $0x2000, $0x38;
	[tilespmem:$0x2180] =	vst v63  }
0x15: {  	_ =	swait.ge [sflag:s3], $0x2000  }
0x16: {  	[sflag:s3] =	ssyncset.done $0x0  }
0x17: {  	[sflag:s3] =	ssyncadd.s32 $0xFFFFE000  }
0x18: {  	v1 =	vld [tilespmem:$0x0];
	_ =	sdelay $0x4  }
0x19: {  	v1 =	vtrunc.f32 v1  }
0x1a: {  	v2 =	vcvt.f32.s32 v1;
	_ =	sdelay $0x1  }
0x1b: {  	v1 =	vlaneseq.u32;
	vm0 =	vgt.s32 v2, $0x0  }
0x1c: {  	v1 =	vmul.u32 $0x40, v1;
	v2 =	vnsel vm0, $0x0, v2  }
0x1d: {  	v2 =	vmin.u32 v2, $0x3F  }
0x1e: {  	v2 =	vor.u32 v1, v2;
	_ =	sdelay $0x2  }
0x1f: {  	v3 =	vld [tilespmem:$0x10]  }
0x20: {  	v4 =	vld [tilespmem:$0x80]  }
0x21: {  	v2 =	vld.idx.msk [tilespmem:v2+s8+$0x0], $0xffff;
	_ =	sdelay $0x2  }
0x22: {  	v3 =	vtrunc.f32 v3  }
0x23: {  	v3 =	vcvt.f32.s32 v3  }
0x24: {  	v4 =	vmul.f32 v4, v0;
	v2 =	vmul.f32 $8.999999760e-01, v2  }
0x25: {  	vm9 =	vgt.s32 v3, $0x0  }
0x26: {  	v3 =	vnsel vm9, $0x0, v3;
	v4 =	vadd.f32 v4, v2  }
0x27: {  	v3 =	vmin.u32 v3, $0x3F;
	v2 =	vor.u32 $0x400, v1  }
0x28: {  	v3 =	vor.u32 v2, v3;
	v4 =	vmax.f32 v4, $0.0e+00  }
0x29: {  	v4 =	vmin.f32 v4, $1.000000000e+00  }
0x2a: {  	v4 =	vsub.f32 $1.000000000e+00, v4  }
0x2b: {  	v5 =	vld [tilespmem:$0x20]  }
0x2c: {  	v6 =	vld [tilespmem:$0x90];
	[tilespmem:$0x2100] =	vst v4  }
0x2d: {  	v3 =	vld.idx.msk [tilespmem:v3+s8+$0x0], $0xffff;
	_ =	sdelay $0x2  }
0x2e: {  	v4 =	vtrunc.f32 v5  }
0x2f: {  	v4 =	vcvt.f32.s32 v4  }
0x30: {  	v5 =	vmul.f32 v6, v0;
	v3 =	vmul.f32 $8.999999760e-01, v3  }
0x31: {  	vm10 =	vgt.s32 v4, $0x0  }
0x32: {  	v4 =	vnsel vm10, $0x0, v4;
	v5 =	vadd.f32 v5, v3  }
0x33: {  	v4 =	vmin.u32 v4, $0x3F;
	v3 =	vor.u32 $0x800, v1  }
0x34: {  	v4 =	vor.u32 v3, v4;
	v5 =	vmax.f32 v5, $0.0e+00  }
0x35: {  	v5 =	vmin.f32 v5, $1.000000000e+00  }
0x36: {  	v5 =	vsub.f32 $1.000000000e+00, v5  }
0x37: {  	v6 =	vld [tilespmem:$0x30]  }
0x38: {  	v7 =	vld [tilespmem:$0xA0];
	[tilespmem:$0x2110] =	vst v5  }
0x39: {  	v4 =	vld.idx.msk [tilespmem:v4+s8+$0x0], $0xffff;
	_ =	sdelay $0x2  }
0x3a: {  	v5 =	vtrunc.f32 v6  }
0x3b: {  	v5 =	vcvt.f32.s32 v5  }
0x3c: {  	v6 =	vmul.f32 v7, v0;
	v4 =	vmul.f32 $8.999999760e-01, v4  }
0x3d: {  	vm11 =	vgt.s32 v5, $0x0  }
0x3e: {  	v5 =	vnsel vm11, $0x0, v5;
	v6 =	vadd.f32 v6, v4  }
0x3f: {  	v5 =	vmin.u32 v5, $0x3F;
	v4 =	vor.u32 $0xC00, v1  }
0x40: {  	v5 =	vor.u32 v4, v5;
	v6 =	vmax.f32 v6, $0.0e+00  }
0x41: {  	v6 =	vmin.f32 v6, $1.000000000e+00  }
0x42: {  	v6 =	vsub.f32 $1.000000000e+00, v6  }
0x43: {  	v7 =	vld [tilespmem:$0x40]  }
0x44: {  	v8 =	vld [tilespmem:$0xB0];
	[tilespmem:$0x2120] =	vst v6  }
0x45: {  	v5 =	vld.idx.msk [tilespmem:v5+s8+$0x0], $0xffff;
	_ =	sdelay $0x2  }
0x46: {  	v6 =	vtrunc.f32 v7  }
0x47: {  	v6 =	vcvt.f32.s32 v6  }
0x48: {  	v7 =	vmul.f32 v8, v0;
	v5 =	vmul.f32 $8.999999760e-01, v5  }
0x49: {  	vm12 =	vgt.s32 v6, $0x0  }
0x4a: {  	v6 =	vnsel vm12, $0x0, v6;
	v7 =	vadd.f32 v7, v5  }
0x4b: {  	v6 =	vmin.u32 v6, $0x3F;
	v5 =	vor.u32 $0x1000, v1  }
0x4c: {  	v6 =	vor.u32 v5, v6;
	v7 =	vmax.f32 v7, $0.0e+00  }
0x4d: {  	v7 =	vmin.f32 v7, $1.000000000e+00  }
0x4e: {  	v7 =	vsub.f32 $1.000000000e+00, v7  }
0x4f: {  	v8 =	vld [tilespmem:$0x50]  }
0x50: {  	v9 =	vld [tilespmem:$0xC0];
	[tilespmem:$0x2130] =	vst v7  }
0x51: {  	v6 =	vld.idx.msk [tilespmem:v6+s8+$0x0], $0xffff;
	_ =	sdelay $0x2  }
0x52: {  	v7 =	vtrunc.f32 v8  }
0x53: {  	v7 =	vcvt.f32.s32 v7  }
0x54: {  	v8 =	vmul.f32 v9, v0;
	v6 =	vmul.f32 $8.999999760e-01, v6  }
0x55: {  	vm13 =	vgt.s32 v7, $0x0  }
0x56: {  	v7 =	vnsel vm13, $0x0, v7;
	v8 =	vadd.f32 v8, v6  }
0x57: {  	v7 =	vmin.u32 v7, $0x3F;
	v6 =	vor.u32 $0x1400, v1  }
0x58: {  	v7 =	vor.u32 v6, v7;
	v8 =	vmax.f32 v8, $0.0e+00  }
0x59: {  	v8 =	vmin.f32 v8, $1.000000000e+00  }
0x5a: {  	v8 =	vsub.f32 $1.000000000e+00, v8  }
0x5b: {  	v9 =	vld [tilespmem:$0x60]  }
0x5c: {  	v10 =	vld [tilespmem:$0xD0];
	[tilespmem:$0x2140] =	vst v8  }
0x5d: {  	v7 =	vld.idx.msk [tilespmem:v7+s8+$0x0], $0xffff;
	_ =	sdelay $0x2  }
0x5e: {  	v8 =	vtrunc.f32 v9  }
0x5f: {  	v8 =	vcvt.f32.s32 v8  }
0x60: {  	v9 =	vmul.f32 v10, v0;
	v7 =	vmul.f32 $8.999999760e-01, v7  }
0x61: {  	vm14 =	vgt.s32 v8, $0x0  }
0x62: {  	v8 =	vnsel vm14, $0x0, v8;
	v9 =	vadd.f32 v9, v7  }
0x63: {  	v8 =	vmin.u32 v8, $0x3F;
	v7 =	vor.u32 $0x1800, v1  }
0x64: {  	v8 =	vor.u32 v7, v8;
	v9 =	vmax.f32 v9, $0.0e+00  }
0x65: {  	v9 =	vmin.f32 v9, $1.000000000e+00  }
0x66: {  	v9 =	vsub.f32 $1.000000000e+00, v9  }
0x67: {  	v10 =	vld [tilespmem:$0x70]  }
0x68: {  	v11 =	vld [tilespmem:$0xE0];
	[tilespmem:$0x2150] =	vst v9  }
0x69: {  	v8 =	vld.idx.msk [tilespmem:v8+s8+$0x0], $0xffff;
	_ =	sdelay $0x2  }
0x6a: {  	v9 =	vtrunc.f32 v10  }
0x6b: {  	v9 =	vcvt.f32.s32 v9  }
0x6c: {  	v10 =	vmul.f32 v11, v0;
	v8 =	vmul.f32 $8.999999760e-01, v8  }
0x6d: {  	vm15 =	vgt.s32 v9, $0x0  }
0x6e: {  	v9 =	vnsel vm15, $0x0, v9;
	v10 =	vadd.f32 v10, v8  }
0x6f: {  	v9 =	vmin.u32 v9, $0x3F;
	v8 =	vor.u32 $0x1C00, v1  }
0x70: {  	v9 =	vor.u32 v8, v9;
	v10 =	vmax.f32 v10, $0.0e+00  }
0x71: {  	v10 =	vmin.f32 v10, $1.000000000e+00  }
0x72: {  	v10 =	vsub.f32 $1.000000000e+00, v10;
	_ =	sdelay $0x1  }
0x73: {  	v11 =	vld [tilespmem:$0xF0];
	[tilespmem:$0x2160] =	vst v10  }
0x74: {  	v9 =	vld.idx.msk [tilespmem:v9+s8+$0x0], $0xffff;
	_ =	sdelay $0x4  }
0x75: {  	v10 =	vmul.f32 v11, v0;
	v9 =	vmul.f32 $8.999999760e-01, v9;
	_ =	sdelay $0x1  }
0x76: {  	s9 =	ssub.s32 $0x2, s9;
	v9 =	vadd.f32 v10, v9  }
0x77: {  	s11 =	sshrl.u32 s9, $0x1  }
0x78: {  	s11 =	ssub.s32 s9, s11;
	v9 =	vmax.f32 v9, $0.0e+00  }
0x79: {  	s11 =	smax.u32 s11, $0x1;
	v9 =	vmin.f32 v9, $1.000000000e+00  }
0x7a: {  	p0 =	sne.s32 s11, $0x1;
	v9 =	vsub.f32 $1.000000000e+00, v9  }
.Ltmp0:
0x7b: {  	_ = 	snop;
	(pc) =	sbr.rel @!p0 .LBB2_2-.Ltmp0, $4  }
0x7c: {  	s9 =	sadd.s32 $0x9600, s10;
	s10 =	simm.s32 $0x2100;
	[tilespmem:$0x2170] =	vst v9  }
0x7d: {  	[hbm4b:s9+s1] =	stream.linear.scatter [tilespmem:s10], [sflag:$0x1], $0x80, $0x38;
	[tilespmem:$0x2180] =	vst v63  }
0x7e: {  	_ =	swait.ge [sflag:s3], $0x80  }
0x7f: {  	s11 =	sadd.s32 $0xFFFFFFFF, s11;
	[sflag:s3] =	ssyncset.done $0x0  }
.LBB2_1:
0x80: {  	p0 =	sne.s32 s11, $0x1;
	s11 =	sadd.s32 $0xFFFFFFFF, s11;
	[sflag:s3] =	ssyncadd.s32 $0xFFFFFF80  }
0x81: {  	[tilespmem:s1], [sflag:$0x1] =	stream.linear.gather [hbm4b:s4+s1], $0x80, $0x38;
	[tilespmem:$0x2180] =	vst v63  }
0x82: {  	_ =	swait.ge [sflag:s3], $0x80  }
0x83: {  	[sflag:s3] =	ssyncset.done $0x0  }
0x84: {  	[sflag:s3] =	ssyncadd.s32 $0xFFFFFF80  }
0x85: {  	[tilespmem:s6], [sflag:$0x1] =	stream.linear.gather [hbm4b:s5+s1], $0x80, $0x38;
	[tilespmem:$0x2180] =	vst v63  }
0x86: {  	_ =	swait.ge [sflag:s3], $0x80  }
0x87: {  	[sflag:s3] =	ssyncset.done $0x0  }
0x88: {  	[sflag:s3] =	ssyncadd.s32 $0xFFFFFF80  }
0x89: {  	[tilespmem:s8], [sflag:$0x1] =	stream.linear.gather [hbm4b:s7+s1], $0x2000, $0x38;
	[tilespmem:$0x2180] =	vst v63  }
0x8a: {  	_ =	swait.ge [sflag:s3], $0x2000  }
0x8b: {  	[sflag:s3] =	ssyncset.done $0x0  }
0x8c: {  	[sflag:s3] =	ssyncadd.s32 $0xFFFFE000  }
0x8d: {  	v9 =	vld [tilespmem:$0x0]  }
0x8e: {  	v10 =	vld [tilespmem:$0x10]  }
0x8f: {  	v12 =	vld [tilespmem:$0x80]  }
0x90: {  	v11 =	vld [tilespmem:$0x20]  }
0x91: {  	v16 =	vld [tilespmem:$0x90]  }
0x92: {  	v9 =	vtrunc.f32 v9;
	v13 =	vld [tilespmem:$0x30]  }
0x93: {  	v9 =	vcvt.f32.s32 v9;
	v10 =	vtrunc.f32 v10;
	v17 =	vld [tilespmem:$0xA0]  }
0x94: {  	v10 =	vcvt.f32.s32 v10;
	v14 =	vld [tilespmem:$0x40]  }
0x95: {  	vm0 =	vgt.s32 v9, $0x0;
	v11 =	vtrunc.f32 v11;
	v15 =	vld [tilespmem:$0xB0]  }
0x96: {  	v9 =	vnsel vm0, $0x0, v9;
	vm0 =	vgt.s32 v10, $0x0;
	v11 =	vcvt.f32.s32 v11;
	v18 =	vld [tilespmem:$0x50]  }
0x97: {  	v9 =	vmin.u32 v9, $0x3F;
	v10 =	vnsel vm0, $0x0, v10;
	v19 =	vtrunc.f32 v13;
	v13 =	vld [tilespmem:$0xC0]  }
0x98: {  	v20 =	vor.u32 v1, v9;
	v21 =	vmin.u32 v10, $0x3F;
	vm0 =	vgt.s32 v11, $0x0;
	v22 =	vld [tilespmem:$0x60]  }
0x99: {  	v19 =	vcvt.f32.s32 v19;
	v9 =	vnsel vm0, $0x0, v11;
	v10 =	vtrunc.f32 v14;
	v11 =	vld [tilespmem:$0xD0]  }
0x9a: {  	v23 =	vmin.u32 v9, $0x3F;
	v14 =	vcvt.f32.s32 v10;
	v24 =	vld [tilespmem:$0x70]  }
0x9b: {  	vm0 =	vgt.s32 v19, $0x0;
	v9 =	vtrunc.f32 v18;
	v10 =	vld [tilespmem:$0xE0]  }
0x9c: {  	v18 =	vnsel vm0, $0x0, v19;
	vm0 =	vgt.s32 v14, $0x0;
	v19 =	vcvt.f32.s32 v9;
	v9 =	vld [tilespmem:$0xF0]  }
0x9d: {  	v18 =	vmin.u32 v18, $0x3F;
	v20 =	vld.idx.msk [tilespmem:v20+s8+$0x0], $0xffff;
	v14 =	vnsel vm0, $0x0, v14;
	v22 =	vtrunc.f32 v22  }
0x9e: {  	v25 =	vmin.u32 v14, $0x3F;
	vm0 =	vgt.s32 v19, $0x0;
	v14 =	vcvt.f32.s32 v22  }
0x9f: {  	v19 =	vnsel vm0, $0x0, v19;
	v22 =	vtrunc.f32 v24  }
0xa0: {  	v19 =	vmin.u32 v19, $0x3F;
	vm0 =	vgt.s32 v14, $0x0;
	v22 =	vcvt.f32.s32 v22  }
0xa1: {  	v14 =	vnsel vm0, $0x0, v14  }
0xa2: {  	v14 =	vmin.u32 v14, $0x3F;
	vm0 =	vgt.s32 v22, $0x0  }
0xa3: {  	v24 =	vmul.f32 v12, v0;
	v20 =	vmul.f32 $8.999999760e-01, v20;
	v12 =	vnsel vm0, $0x0, v22  }
0xa4: {  	v12 =	vmin.u32 v12, $0x3F  }
0xa5: {  	v20 =	vadd.f32 v24, v20;
	_ =	sdelay $0x1  }
0xa6: {  	v21 =	vor.u32 v2, v21;
	v20 =	vmax.f32 v20, $0.0e+00  }
0xa7: {  	v20 =	vmin.f32 v20, $1.000000000e+00  }
0xa8: {  	v20 =	vsub.f32 $1.000000000e+00, v20;
	_ =	sdelay $0x1  }
0xa9: {  	[tilespmem:$0x2100] =	vst v20  }
0xaa: {  	v20 =	vld.idx.msk [tilespmem:v21+s8+$0x0], $0xffff;
	_ =	sdelay $0x5  }
0xab: {  	v16 =	vmul.f32 v16, v0;
	v20 =	vmul.f32 $8.999999760e-01, v20;
	_ =	sdelay $0x1  }
0xac: {  	v16 =	vadd.f32 v16, v20;
	_ =	sdelay $0x1  }
0xad: {  	v20 =	vor.u32 v3, v23;
	v16 =	vmax.f32 v16, $0.0e+00  }
0xae: {  	v16 =	vmin.f32 v16, $1.000000000e+00  }
0xaf: {  	v16 =	vsub.f32 $1.000000000e+00, v16;
	_ =	sdelay $0x1  }
0xb0: {  	[tilespmem:$0x2110] =	vst v16  }
0xb1: {  	v16 =	vld.idx.msk [tilespmem:v20+s8+$0x0], $0xffff;
	_ =	sdelay $0x5  }
0xb2: {  	v17 =	vmul.f32 v17, v0;
	v16 =	vmul.f32 $8.999999760e-01, v16;
	_ =	sdelay $0x1  }
0xb3: {  	v16 =	vadd.f32 v17, v16;
	_ =	sdelay $0x1  }
0xb4: {  	v17 =	vor.u32 v4, v18;
	v16 =	vmax.f32 v16, $0.0e+00  }
0xb5: {  	v16 =	vmin.f32 v16, $1.000000000e+00  }
0xb6: {  	v16 =	vsub.f32 $1.000000000e+00, v16;
	_ =	sdelay $0x1  }
0xb7: {  	[tilespmem:$0x2120] =	vst v16  }
0xb8: {  	v16 =	vld.idx.msk [tilespmem:v17+s8+$0x0], $0xffff;
	_ =	sdelay $0x5  }
0xb9: {  	v15 =	vmul.f32 v15, v0;
	v16 =	vmul.f32 $8.999999760e-01, v16;
	_ =	sdelay $0x1  }
0xba: {  	v15 =	vadd.f32 v15, v16;
	_ =	sdelay $0x1  }
0xbb: {  	v16 =	vor.u32 v5, v25;
	v15 =	vmax.f32 v15, $0.0e+00  }
0xbc: {  	v15 =	vmin.f32 v15, $1.000000000e+00  }
0xbd: {  	v15 =	vsub.f32 $1.000000000e+00, v15;
	_ =	sdelay $0x1  }
0xbe: {  	[tilespmem:$0x2130] =	vst v15  }
0xbf: {  	v15 =	vld.idx.msk [tilespmem:v16+s8+$0x0], $0xffff;
	_ =	sdelay $0x5  }
0xc0: {  	v13 =	vmul.f32 v13, v0;
	v15 =	vmul.f32 $8.999999760e-01, v15;
	_ =	sdelay $0x1  }
0xc1: {  	v13 =	vadd.f32 v13, v15;
	_ =	sdelay $0x1  }
0xc2: {  	v15 =	vor.u32 v6, v19;
	v13 =	vmax.f32 v13, $0.0e+00  }
0xc3: {  	v13 =	vmin.f32 v13, $1.000000000e+00  }
0xc4: {  	v13 =	vsub.f32 $1.000000000e+00, v13;
	_ =	sdelay $0x1  }
0xc5: {  	[tilespmem:$0x2140] =	vst v13  }
0xc6: {  	v13 =	vld.idx.msk [tilespmem:v15+s8+$0x0], $0xffff;
	_ =	sdelay $0x5  }
0xc7: {  	v11 =	vmul.f32 v11, v0;
	v13 =	vmul.f32 $8.999999760e-01, v13;
	_ =	sdelay $0x1  }
0xc8: {  	v11 =	vadd.f32 v11, v13;
	_ =	sdelay $0x1  }
0xc9: {  	v13 =	vor.u32 v7, v14;
	v11 =	vmax.f32 v11, $0.0e+00  }
0xca: {  	v11 =	vmin.f32 v11, $1.000000000e+00  }
0xcb: {  	v11 =	vsub.f32 $1.000000000e+00, v11;
	_ =	sdelay $0x1  }
0xcc: {  	[tilespmem:$0x2150] =	vst v11  }
0xcd: {  	v11 =	vld.idx.msk [tilespmem:v13+s8+$0x0], $0xffff;
	_ =	sdelay $0x5  }
0xce: {  	v10 =	vmul.f32 v10, v0;
	v11 =	vmul.f32 $8.999999760e-01, v11;
	_ =	sdelay $0x1  }
0xcf: {  	v10 =	vadd.f32 v10, v11;
	_ =	sdelay $0x1  }
0xd0: {  	v11 =	vor.u32 v8, v12;
	v10 =	vmax.f32 v10, $0.0e+00  }
0xd1: {  	v10 =	vmin.f32 v10, $1.000000000e+00  }
0xd2: {  	v10 =	vsub.f32 $1.000000000e+00, v10;
	_ =	sdelay $0x1  }
0xd3: {  	[tilespmem:$0x2160] =	vst v10  }
0xd4: {  	v10 =	vld.idx.msk [tilespmem:v11+s8+$0x0], $0xffff;
	_ =	sdelay $0x5  }
0xd5: {  	v9 =	vmul.f32 v9, v0;
	v10 =	vmul.f32 $8.999999760e-01, v10;
	_ =	sdelay $0x1  }
0xd6: {  	v9 =	vadd.f32 v9, v10;
	_ =	sdelay $0x1  }
0xd7: {  	v9 =	vmax.f32 v9, $0.0e+00  }
0xd8: {  	v9 =	vmin.f32 v9, $1.000000000e+00  }
0xd9: {  	v9 =	vsub.f32 $1.000000000e+00, v9  }
.Ltmp1:
0xda: {  	(pc) =	sbr.rel @p0 .LBB2_1-.Ltmp1, $4  }
0xdb: {  	[tilespmem:$0x2170] =	vst v9  }
0xdc: {  	[hbm4b:s9+s1] =	stream.linear.scatter [tilespmem:s10], [sflag:$0x1], $0x80, $0x38;
	[tilespmem:$0x2180] =	vst v63  }
0xdd: {  	_ =	swait.ge [sflag:s3], $0x80  }
0xde: {  	[sflag:s3] =	ssyncset.done $0x0  }
.LBB2_2:
0xdf: {  	[sflag:s3] =	ssyncadd.s32 $0xFFFFFF80  }
0xe0: {  	_ =	sfence.sel $0x180000  }
0xe1: {  	[bflag:$0x0] =	sbarrier.arrive $0xFFFF  }
0xe2: {  	p0 =	sne.s32 s2, $0x0;
	_ =	strace $0x90000047  }
0xe3: {  	s0 =	sadd.s32 @!p0 $0x100000, s0;
	[bflag:$0x2] =	sbarrier.arrive $0xFFFF  }
0xe4: {  	[sflag:s0] =	ssyncadd.tile.s32 @!p0 $0x1;
	_ =	shalt  }
.Lfunc_end2:
_tile_overlayer_lowered:
.L_overlay_start_2:
0xe5: {  	(tag) =	ssettag $0x2  }
0xe6: {  	s0 =	rddreg [dreg:$0x0];
	s2 =	stileid.u32  }
0xe7: {  	s1 =	rddreg [dreg:$0x1];
	p0 =	sne.s32 s2, $0x0  }
0xe8: {  	s3 =	rddreg [dreg:$0x2];
	[bflag:$0x3] =	sbarrier.arrive $0xFFFF;
	s2 =	simm.s32 @!p0 $0x1C01  }
0xe9: {  	[timem:s3], [sflag:s2] =	dma.local @!p0 [hbm:s0], s1  }
0xea: {  	s0 =	simm.s32 @!p0 $0x1  }
0xeb: {  	_ =	swait.ge @!p0 [sflag:s0], s1  }
0xec: {  	s1 =	ssub.s32 @!p0 $0x0, s1;
	[sflag:s0] =	ssyncset.done @!p0 $0x0  }
0xed: {  	[sflag:s0] =	ssyncadd.s32 @!p0 s1  }
0xee: {  	[bflag:$0x3] =	sbarrier.arrive $0xFFFF  }
0xef: {  	_ =	shalt  }

</sc_bundles>
